<compile_context>
chip_gen: v7x
topology: tpu7x:2x2x1
jax: 0.10.2.dev20260603
libtpu: 0.0.44.dev20260713+nightly
codegen_flags: <defaults>
</compile_context>

<pallas_src>
import functools

import jax
import jax.numpy as jnp
from jax import lax
from jax.experimental import pallas as pl
from jax.experimental.pallas import tpu as pltpu
from jax.experimental.pallas import tpu_sc as plsc

N = 10000
E = 160000
D = 256
DH = 128
DQ = 64
NT = 64
NC = 2
NS = 16
BN = 2000
GRID = N // BN

EPW = E // NS
WIN = 128
NFULL = EPW // WIN
TAIL = EPW - NFULL * WIN
ZR = 400


@functools.cache
def _sc_mesh():
    return plsc.VectorSubcoreMesh(
        core_axis_name="c", subcore_axis_name="s", num_cores=NC, num_subcores=NS
    )



def _deg_body(ei_hbm, zd_hbm, ones_hbm, out_hbm, idx_v, tidx_v, ones_v, zst_v,
              deg_sh, semi, sems):
    c = lax.axis_index("c")
    s = lax.axis_index("s")

    pltpu.sync_copy(zd_hbm, zst_v)
    pltpu.sync_copy(ones_hbm, ones_v)

    @pl.when(s < 10)
    def _():
        pltpu.sync_copy(zst_v, deg_sh.at[pl.ds(s * 1000, 1000)])

    plsc.subcore_barrier()

    def load(k, b):
        base = pl.multiple_of(c * E + s * EPW + k * WIN, 8)
        pltpu.async_copy(ei_hbm.at[pl.ds(base, WIN)], idx_v.at[b],
                         semi.at[b])

    def load_wait(b):
        pltpu.make_async_copy(ei_hbm.at[pl.ds(0, WIN)], idx_v.at[b],
                              semi.at[b]).wait()

    def scat_issue(b):
        pltpu.async_copy(ones_v, deg_sh.at[idx_v.at[b]], sems.at[b],
                         add=True)

    def scat_wait(b):
        pltpu.make_async_copy(ones_v, deg_sh.at[idx_v.at[b]],
                              sems.at[b]).wait()

    load(0, 0)
    load(1, 1)

    def triple(kk, carry):
        for b in (0, 1, 2):
            k = 3 * kk + b
            sp = (k + 2) % 3
            load_wait(b)
            scat_issue(b)
            if b == 0:
                pl.when(kk > 0)(lambda: scat_wait(sp))
                load(k + 2, sp)
            else:
                pl.when(kk < NFULL // 3 - 1)(lambda: scat_wait(sp))
                pl.when(kk < NFULL // 3 - 1)(lambda: load(k + 2, sp))
        return carry

    lax.fori_loop(0, NFULL // 3, triple, 0)
    scat_wait(0)
    scat_wait(1)
    scat_wait(2)
    tbase = pl.multiple_of(c * E + s * EPW + NFULL * WIN, 8)
    pltpu.sync_copy(ei_hbm.at[pl.ds(tbase, TAIL)], tidx_v.at[0])
    pltpu.sync_copy(ones_v.at[pl.ds(0, TAIL)],
                    deg_sh.at[tidx_v.at[0]], add=True)
    plsc.subcore_barrier()

    @pl.when(s < 10)
    def _():
        pltpu.sync_copy(deg_sh.at[pl.ds(s * 1000, 1000)], zst_v)
        ob = pl.multiple_of(c * N + s * 1000, 8)
        pltpu.sync_copy(zst_v, out_hbm.at[pl.ds(ob, 1000)])


@jax.jit
def _sc_degrees(edge_index):
    zd = jnp.zeros((1000,), jnp.float32)
    ones = jnp.ones((WIN,), jnp.float32)
    f = pl.kernel(
        _deg_body,
        out_type=jax.ShapeDtypeStruct((NC * N,), jnp.float32),
        mesh=_sc_mesh(),
        scratch_types=[
            pltpu.VMEM((3, WIN), jnp.int32),
            pltpu.VMEM((1, TAIL), jnp.int32),
            pltpu.VMEM((WIN,), jnp.float32),
            pltpu.VMEM((1000,), jnp.float32),
            pltpu.VMEM_SHARED((N,), jnp.float32),
            pltpu.SemaphoreType.DMA((3,)),
            pltpu.SemaphoreType.DMA((3,)),
        ],
        name="gcn_degrees",
    )
    return f(edge_index.reshape(2 * E), zd, ones)


def _trash_vec(i):
    return N + ((lax.iota(jnp.int32, 16) + i * 16) & (NT - 1))


def _scat_body(p_hbm, ei_hbm, z_hbm, out_hbm, sbuf, dbuf, rows_v, zst_v,
               m_sh, semg, semi, semd, sems):
    c = lax.axis_index("c")
    s = lax.axis_index("s")
    ebase = s * EPW

    def src_load(k, b):
        pltpu.async_copy(ei_hbm.at[pl.ds(pl.multiple_of(ebase + k * WIN, 8),
                                         WIN)],
                         sbuf.at[b], semi.at[b])

    def src_wait(b):
        pltpu.make_async_copy(ei_hbm.at[pl.ds(0, WIN)], sbuf.at[b],
                              semi.at[b]).wait()

    def add_off(b, off):
        for i in range(WIN // 16):
            sl = pl.ds(i * 16, 16)
            sbuf[b, sl] = sbuf[b, sl] + off

    def gather_issue(b):
        pltpu.async_copy(p_hbm.at[sbuf.at[b]], rows_v.at[b], semg.at[b])

    def gather_wait(b):
        pltpu.make_async_copy(p_hbm.at[sbuf.at[b]], rows_v.at[b],
                              semg.at[b]).wait()

    def dst_load(k, b):
        pltpu.async_copy(ei_hbm.at[pl.ds(pl.multiple_of(E + ebase + k * WIN,
                                                        8), WIN)],
                         dbuf.at[b], semd.at[b])

    def dst_wait(b):
        pltpu.make_async_copy(ei_hbm.at[pl.ds(0, WIN)], dbuf.at[b],
                              semd.at[b]).wait()

    def scat_issue(b):
        pltpu.async_copy(rows_v.at[b], m_sh.at[dbuf.at[b]], sems.at[b],
                         add=True)

    def scat_wait(b):
        pltpu.make_async_copy(rows_v.at[b], m_sh.at[dbuf.at[b]],
                              sems.at[b]).wait()

    for qq in range(2):
        off = (c * 2 + qq) * N

        pltpu.sync_copy(z_hbm, zst_v)

        @pl.when(s < 10)
        def _():
            for j in (0, ZR, 2 * ZR):
                n = min(ZR, 1000 - j)
                pltpu.sync_copy(zst_v.at[pl.ds(0, n)],
                                m_sh.at[pl.ds(s * 1000 + j, n)])

        @pl.when(s == 10)
        def _():
            pltpu.sync_copy(zst_v.at[pl.ds(0, NT)], m_sh.at[pl.ds(N, NT)])

        plsc.subcore_barrier()

        src_load(0, 0)
        src_wait(0)
        add_off(0, off)
        gather_issue(0)
        dst_load(0, 0)
        src_load(1, 1)

        def pair(kk, carry):
            for b in (0, 1):
                k = 2 * kk + b
                later = kk < NFULL // 2 - 1

                if b == 0:
                    pl.when(kk > 0)(lambda: scat_wait(1))
                else:
                    scat_wait(0)

                def issue_next():
                    src_wait(1 - b)
                    add_off(1 - b, off)
                    gather_issue(1 - b)

                if b == 0:
                    issue_next()
                else:
                    pl.when(later)(issue_next)
                gather_wait(b)
                pl.when(later)(lambda: src_load(k + 2, b))
                dst_wait(b)
                if b == 0:
                    dst_load(k + 1, 1)
                else:
                    pl.when(later)(lambda: dst_load(k + 1, 0))
                scat_issue(b)
            return carry

        lax.fori_loop(0, NFULL // 2, pair, 0)

        tb = pl.multiple_of(ebase + NFULL * WIN, 8)
        pltpu.sync_copy(ei_hbm.at[pl.ds(tb, TAIL)],
                        sbuf.at[0, pl.ds(0, TAIL)])
        for i in range(TAIL // 16, WIN // 16):
            sbuf[0, pl.ds(i * 16, 16)] = lax.iota(jnp.int32, 16) + i * 16
        add_off(0, off)
        pltpu.async_copy(p_hbm.at[sbuf.at[0]], rows_v.at[0], semg.at[0])
        gather_wait(0)
        tdb = pl.multiple_of(E + tb, 8)
        pltpu.sync_copy(ei_hbm.at[pl.ds(tdb, TAIL)],
                        dbuf.at[0, pl.ds(0, TAIL)])
        for i in range(TAIL // 16, WIN // 16):
            dbuf[0, pl.ds(i * 16, 16)] = _trash_vec(i)
        scat_wait(1)
        scat_issue(0)
        scat_wait(0)
        plsc.subcore_barrier()

        @pl.when(s < 10)
        def _():
            for j in (0, ZR, 2 * ZR):
                n = min(ZR, 1000 - j)
                pltpu.sync_copy(m_sh.at[pl.ds(s * 1000 + j, n)],
                                zst_v.at[pl.ds(0, n)])
                pltpu.sync_copy(zst_v.at[pl.ds(0, n)],
                                out_hbm.at[pl.ds(off + s * 1000 + j, n)])

        plsc.subcore_barrier()


@jax.jit
def _sc_scatter(p_flat, edge_index):
    z = jnp.zeros((ZR, DQ), jnp.float32)
    f = pl.kernel(
        _scat_body,
        out_type=jax.ShapeDtypeStruct((4 * N, DQ), jnp.float32),
        mesh=_sc_mesh(),
        scratch_types=[
            pltpu.VMEM((2, WIN), jnp.int32),
            pltpu.VMEM((2, WIN), jnp.int32),
            pltpu.VMEM((2, WIN, DQ), jnp.float32),
            pltpu.VMEM((ZR, DQ), jnp.float32),
            pltpu.VMEM_SHARED((N + NT, DQ), jnp.float32),
            pltpu.SemaphoreType.DMA((2,)),
            pltpu.SemaphoreType.DMA((2,)),
            pltpu.SemaphoreType.DMA((2,)),
            pltpu.SemaphoreType.DMA((2,)),
        ],
        compiler_params=pltpu.CompilerParams(use_tc_tiling_on_sc=False),
        name="gcn_edge_scatter",
    )
    return f(p_flat, edge_index.reshape(2 * E), z)



BH = BN // 2


def _csc(deg_ref):
    return lax.rsqrt(jnp.maximum(deg_ref[...], 1.0))


def _split_store(p_ref, ql, qr):
    for i in range(4):
        sl = slice(i * DQ, (i + 1) * DQ)
        p_ref[i] = jnp.concatenate([ql[:, sl], qr[:, sl]], axis=-1)


def _munpack(m_ref):
    ml = jnp.concatenate([m_ref[i][:, :DQ] for i in range(4)], axis=-1)
    mr = jnp.concatenate([m_ref[i][:, DQ:] for i in range(4)], axis=-1)
    return ml, mr


def _pre_body(x_ref, w_ref, rw_ref, rb_ref, dsl_ref, dsr_ref,
              p_ref, rl_ref, rr_ref):
    xl = x_ref[:, 0, :]
    xr = x_ref[:, 1, :]
    ql = jnp.dot(xl, w_ref[...], preferred_element_type=jnp.float32)
    qr = jnp.dot(xr, w_ref[...], preferred_element_type=jnp.float32)
    _split_store(p_ref, ql * _csc(dsl_ref), qr * _csc(dsr_ref))
    rl_ref[...] = (
        jnp.dot(xl, rw_ref[...], preferred_element_type=jnp.float32)
        + rb_ref[...]
    )
    rr_ref[...] = (
        jnp.dot(xr, rw_ref[...], preferred_element_type=jnp.float32)
        + rb_ref[...]
    )


def _mid_body(m_ref, ddl_ref, ddr_ref, b_ref, rl_ref, rr_ref, w_ref, rw_ref,
              rb_ref, dsl_ref, dsr_ref, p_ref, r2l_ref, r2r_ref):
    ml, mr = _munpack(m_ref)
    hl = jax.nn.relu(_csc(ddl_ref) * ml + b_ref[...]) + rl_ref[...]
    hr = jax.nn.relu(_csc(ddr_ref) * mr + b_ref[...]) + rr_ref[...]
    ql = jnp.dot(hl, w_ref[...], preferred_element_type=jnp.float32)
    qr = jnp.dot(hr, w_ref[...], preferred_element_type=jnp.float32)
    _split_store(p_ref, ql * _csc(dsl_ref), qr * _csc(dsr_ref))
    r2l_ref[...] = (
        jnp.dot(hl, rw_ref[...], preferred_element_type=jnp.float32)
        + rb_ref[...]
    )
    r2r_ref[...] = (
        jnp.dot(hr, rw_ref[...], preferred_element_type=jnp.float32)
        + rb_ref[...]
    )


def _mid2_body(m_ref, ddl_ref, ddr_ref, b_ref, rl_ref, rr_ref, w_ref,
               dsl_ref, dsr_ref, p_ref, hl_ref, hr_ref):
    ml, mr = _munpack(m_ref)
    hl = jax.nn.relu(_csc(ddl_ref) * ml + b_ref[...]) + rl_ref[...]
    hr = jax.nn.relu(_csc(ddr_ref) * mr + b_ref[...]) + rr_ref[...]
    ql = jnp.dot(hl, w_ref[...], preferred_element_type=jnp.float32)
    qr = jnp.dot(hr, w_ref[...], preferred_element_type=jnp.float32)
    _split_store(p_ref, ql * _csc(dsl_ref), qr * _csc(dsr_ref))
    hl_ref[...] = hl
    hr_ref[...] = hr


def _post_body(m_ref, ddl_ref, ddr_ref, b_ref, hl_ref, hr_ref, out_ref):
    ml, mr = _munpack(m_ref)
    out_ref[:, 0, :] = _csc(ddl_ref) * ml + b_ref[...] + hl_ref[...]
    out_ref[:, 1, :] = _csc(ddr_ref) * mr + b_ref[...] + hr_ref[...]


_ROW = pl.BlockSpec((BH, D), lambda i: (i, 0))
_COL = pl.BlockSpec((BH, 1), lambda i: (i, 0))
_WMAT = pl.BlockSpec((D, D), lambda i: (0, 0))
_BVEC = pl.BlockSpec((1, D), lambda i: (0, 0))
_MIN = pl.BlockSpec((4, BH, 2 * DQ), lambda i: (0, i, 0))

_P_OUT = jax.ShapeDtypeStruct((4, N // 2, 2 * DQ), jnp.float32)
_R_OUT = jax.ShapeDtypeStruct((N // 2, D), jnp.float32)


@jax.jit
def _tc_pre(x2, w, rw, rb, dsl, dsr):
    return pl.pallas_call(
        _pre_body,
        grid=(GRID,),
        in_specs=[pl.BlockSpec((BH, 2, D), lambda i: (i, 0, 0)),
                  _WMAT, _WMAT, _BVEC, _COL, _COL],
        out_specs=[_MIN, _ROW, _ROW],
        out_shape=[_P_OUT, _R_OUT, _R_OUT],
    )(x2, w, rw, rb, dsl, dsr)


@jax.jit
def _tc_mid(m, ddl, ddr, b, rl, rr, w, rw, rb, dsl, dsr):
    return pl.pallas_call(
        _mid_body,
        grid=(GRID,),
        in_specs=[_MIN, _COL, _COL, _BVEC, _ROW, _ROW, _WMAT, _WMAT, _BVEC,
                  _COL, _COL],
        out_specs=[_MIN, _ROW, _ROW],
        out_shape=[_P_OUT, _R_OUT, _R_OUT],
    )(m, ddl, ddr, b, rl, rr, w, rw, rb, dsl, dsr)


@jax.jit
def _tc_mid2(m, ddl, ddr, b, rl, rr, w, dsl, dsr):
    return pl.pallas_call(
        _mid2_body,
        grid=(GRID,),
        in_specs=[_MIN, _COL, _COL, _BVEC, _ROW, _ROW, _WMAT, _COL, _COL],
        out_specs=[_MIN, _ROW, _ROW],
        out_shape=[_P_OUT, _R_OUT, _R_OUT],
    )(m, ddl, ddr, b, rl, rr, w, dsl, dsr)


@jax.jit
def _tc_post(m, ddl, ddr, b, hl, hr):
    return pl.pallas_call(
        _post_body,
        grid=(GRID,),
        in_specs=[_MIN, _COL, _COL, _BVEC, _ROW, _ROW],
        out_specs=pl.BlockSpec((BH, 2, D), lambda i: (i, 0, 0)),
        out_shape=jax.ShapeDtypeStruct((N // 2, 2, D), jnp.float32),
    )(m, ddl, ddr, b, hl, hr)


def kernel(x, edge_index, W1, b1, W2, b2, W3, b3, rW1, rb1, rW2, rb2):
    deg = _sc_degrees(edge_index)
    dsl = deg[:N:2].reshape(N // 2, 1)
    dsr = deg[1:N:2].reshape(N // 2, 1)
    ddl = deg[N::2].reshape(N // 2, 1)
    ddr = deg[N + 1::2].reshape(N // 2, 1)
    x2 = x.reshape(N // 2, 2, D)
    b1r = b1.reshape(1, D)
    b2r = b2.reshape(1, D)
    b3r = b3.reshape(1, D)
    rb1r = rb1.reshape(1, D)
    rb2r = rb2.reshape(1, D)

    def scat(p):
        m = _sc_scatter(p.reshape(4 * N, DQ), edge_index)
        return m.reshape(4, N // 2, 2 * DQ)

    p0, r0l, r0r = _tc_pre(x2, W1, rW1, rb1r, dsl, dsr)
    m0 = scat(p0)
    p1, r1l, r1r = _tc_mid(m0, ddl, ddr, b1r, r0l, r0r, W2, rW2, rb2r,
                           dsl, dsr)
    m1 = scat(p1)
    p2, h2l, h2r = _tc_mid2(m1, ddl, ddr, b2r, r1l, r1r, W3, dsl, dsr)
    m2 = scat(p2)
    out = _tc_post(m2, ddl, ddr, b3r, h2l, h2r)
    return out.reshape(N, D)

# --- scband reference (transcript-rebuilt; emitter-appended) ---
"""Pipeline reference for scband-gcn-3470333575942 (READ-ONLY COPY).

The authoritative reference and input builder live on the scoring server;
editing this copy changes nothing except your own understanding.
"""

import jax, jax.numpy as jnp
import numpy as np

N = 10000
E = 160000
D_IN = 256
D_H = 256
D_OUT = 256


def setup_inputs(seed: int = 0) -> dict:
    key = jax.random.key(seed)
    ks = jax.random.split(key, 16)
    inp = {}
    inp["x"] = jax.random.normal(ks[0], (N, D_IN), dtype=jnp.float32)
    inp["edge_index"] = jax.random.randint(ks[1], (2, E), 0, N, dtype=jnp.int32)
    s = 0.05
    inp["W1"] = jax.random.normal(ks[2], (D_IN, D_H), dtype=jnp.float32) * s
    inp["b1"] = jnp.zeros((D_H,), dtype=jnp.float32)
    inp["W2"] = jax.random.normal(ks[3], (D_H, D_H), dtype=jnp.float32) * s
    inp["b2"] = jnp.zeros((D_H,), dtype=jnp.float32)
    inp["W3"] = jax.random.normal(ks[4], (D_H, D_OUT), dtype=jnp.float32) * s
    inp["b3"] = jnp.zeros((D_OUT,), dtype=jnp.float32)
    inp["rW1"] = jax.random.normal(ks[5], (D_IN, D_H), dtype=jnp.float32) * s
    inp["rb1"] = jnp.zeros((D_H,), dtype=jnp.float32)
    inp["rW2"] = jax.random.normal(ks[6], (D_H, D_H), dtype=jnp.float32) * s
    inp["rb2"] = jnp.zeros((D_H,), dtype=jnp.float32)
    return inp


def _graphconv(h, src, dst, W, b, act):
    # DGL GraphConv with norm='both': D_dst^{-1/2} A D_src^{-1/2} h W + b
    deg_out = jnp.zeros((N,), dtype=h.dtype).at[src].add(1.0)
    c_src = jnp.clip(deg_out, 1.0, None) ** -0.5
    hs = h * c_src[:, None]
    m = jnp.zeros((N, h.shape[1]), dtype=h.dtype).at[dst].add(hs[src])
    deg_in = jnp.zeros((N,), dtype=h.dtype).at[dst].add(1.0)
    c_dst = jnp.clip(deg_in, 1.0, None) ** -0.5
    m = m * c_dst[:, None]
    out = m @ W + b
    if act:
        out = jax.nn.relu(out)
    return out


def reference(x, edge_index, W1, b1, W2, b2, W3, b3, rW1, rb1, rW2, rb2):
    # Blocks modeled as the same full graph at every layer (num_dst_nodes == N).
    # Dropout is identity (eval mode); BatchNorm layers are defined but unused in forward.
    src = edge_index[0]
    dst = edge_index[1]
    h = x
    # layer 0: GraphConv(in, hidden, relu) + Linear residual
    h_res = h
    h = _graphconv(h, src, dst, W1, b1, True)
    h = h + (h_res @ rW1 + rb1)
    # layer 1: GraphConv(hidden, hidden, relu) + Linear residual
    h_res = h
    h = _graphconv(h, src, dst, W2, b2, True)
    h = h + (h_res @ rW2 + rb2)
    # layer 2: GraphConv(hidden, classes, no act) + Identity residual
    # (torch's in-place `h +=` mutates the view stored in collect, so the
    #  returned tensor includes this residual add)
    h_res = h
    h = _graphconv(h, src, dst, W3, b3, False)
    h = h + h_res
    return h

if __name__ == "__main__":
    import jax
    _d = setup_inputs()
    print(jax.jit(kernel)(*tuple(_d.values())))

</pallas_src>

<mosaic_0001>
#map = affine_map<(d0, d1) -> (0)>
module attributes {stable_mosaic.version = 14 : i64} {
  func.func @gcn_degrees(%arg0: i32, %arg1: i32, %arg2: memref<320000xi32, #tpu.memory_space<hbm>>, %arg3: memref<1000xf32, #tpu.memory_space<hbm>>, %arg4: memref<128xf32, #tpu.memory_space<hbm>>, %arg5: memref<20000xf32, #tpu.memory_space<hbm>>, %arg6: memref<3x128xi32, #tpu.memory_space<vmem>>, %arg7: memref<1x16xi32, #tpu.memory_space<vmem>>, %arg8: memref<128xf32, #tpu.memory_space<vmem>>, %arg9: memref<1000xf32, #tpu.memory_space<vmem>>, %arg10: memref<10000xf32, #tpu.memory_space<vmem_shared>>, %arg11: memref<3x!tpu.dma_semaphore, #tpu.memory_space<semaphore_mem>>, %arg12: memref<3x!tpu.dma_semaphore, #tpu.memory_space<semaphore_mem>>) attributes {dimension_semantics = [#tpu.dimension_semantics<core_parallel>, #tpu.dimension_semantics<subcore_parallel>], iteration_bounds = array<i64: 2, 16>, scalar_prefetch = 0 : i64, scratch_operands = 7 : i64, tpu.core_type = #tpu.core_type<sc_vector_subcore>, window_params = [{transform_indices = #map}, {transform_indices = #map}, {transform_indices = #map}, {transform_indices = #map}]} {
    "tpu.region"() ({
      %run_scoped3A_84 = tpu.sem_alloc : memref<!tpu.dma_semaphore, #tpu.memory_space<semaphore_mem>>
      tpu.enqueue_dma source(%arg3 : memref<1000xf32, #tpu.memory_space<hbm>>) target(%arg9 : memref<1000xf32, #tpu.memory_space<vmem>>) target_semaphore(%run_scoped3A_84 : memref<!tpu.dma_semaphore, #tpu.memory_space<semaphore_mem>>)
      tpu.wait_dma2 semaphore(%run_scoped3A_84 : memref<!tpu.dma_semaphore, #tpu.memory_space<semaphore_mem>>) src(%arg3 : memref<1000xf32, #tpu.memory_space<hbm>>) dst(%arg9 : memref<1000xf32, #tpu.memory_space<vmem>>)
      tpu.yield
    }) : () -> ()
    "tpu.region"() ({
      %run_scoped3A_84 = tpu.sem_alloc : memref<!tpu.dma_semaphore, #tpu.memory_space<semaphore_mem>>
      tpu.enqueue_dma source(%arg4 : memref<128xf32, #tpu.memory_space<hbm>>) target(%arg8 : memref<128xf32, #tpu.memory_space<vmem>>) target_semaphore(%run_scoped3A_84 : memref<!tpu.dma_semaphore, #tpu.memory_space<semaphore_mem>>)
      tpu.wait_dma2 semaphore(%run_scoped3A_84 : memref<!tpu.dma_semaphore, #tpu.memory_space<semaphore_mem>>) src(%arg4 : memref<128xf32, #tpu.memory_space<hbm>>) dst(%arg8 : memref<128xf32, #tpu.memory_space<vmem>>)
      tpu.yield
    }) : () -> ()
    %lt3A = arith.constant 10 : i32
    %lt3A_0 = arith.cmpi slt, %arg1, %lt3A : i32
    %convert_element_type3A = arith.extui %lt3A_0 : i1 to i32
    %cond3A = arith.constant 0 : i32
    %cond3A_1 = arith.cmpi ne, %convert_element_type3A, %cond3A : i32
    scf.if %cond3A_1 {
      %mul3A_84 = arith.constant 1000 : i32
      %mul3A_85 = arith.muli %arg1, %mul3A_84 : i32
      "tpu.region"() ({
        %run_scoped3A_86 = tpu.sem_alloc : memref<!tpu.dma_semaphore, #tpu.memory_space<semaphore_mem>>
        %dma_start3A_87 = tpu.memref_slice %arg10[%mul3A_85] : memref<10000xf32, #tpu.memory_space<vmem_shared>> -> memref<1000xf32, #tpu.memory_space<vmem_shared>>
        %dma_start3A_88 = tpu.memref_slice %arg10[%mul3A_85] : memref<10000xf32, #tpu.memory_space<vmem_shared>> -> memref<1000xf32, #tpu.memory_space<vmem_shared>>
        tpu.enqueue_dma source(%arg9 : memref<1000xf32, #tpu.memory_space<vmem>>) target(%dma_start3A_88 : memref<1000xf32, #tpu.memory_space<vmem_shared>>) target_semaphore(%run_scoped3A_86 : memref<!tpu.dma_semaphore, #tpu.memory_space<semaphore_mem>>)
        %dma_wait3A_89 = tpu.memref_slice %arg10[%mul3A_85] : memref<10000xf32, #tpu.memory_space<vmem_shared>> -> memref<1000xf32, #tpu.memory_space<vmem_shared>>
        %dma_wait3A_90 = tpu.memref_slice %arg10[%mul3A_85] : memref<10000xf32, #tpu.memory_space<vmem_shared>> -> memref<1000xf32, #tpu.memory_space<vmem_shared>>
        tpu.wait_dma2 semaphore(%run_scoped3A_86 : memref<!tpu.dma_semaphore, #tpu.memory_space<semaphore_mem>>) src(%arg9 : memref<1000xf32, #tpu.memory_space<vmem>>) dst(%dma_wait3A_90 : memref<1000xf32, #tpu.memory_space<vmem_shared>>)
        tpu.yield
      }) : () -> ()
    } else {
    }
    %barrier3A = arith.constant 0 : index
    tpu.barrier barrier_id(%barrier3A)
    %mul3A = arith.constant 160000 : i32
    %mul3A_2 = arith.muli %arg0, %mul3A : i32
    %mul3A_3 = arith.constant 10000 : i32
    %mul3A_4 = arith.muli %arg1, %mul3A_3 : i32
    %add3A = arith.addi %mul3A_2, %mul3A_4 : i32
    %add3A_5 = arith.constant 0 : i32
    %add3A_6 = arith.addi %add3A, %add3A_5 : i32
    %multiple_of3A = tpu.assume_multiple %add3A_6, 8 : i32
    %dma_start3A = arith.constant 0 : i32
    %dma_start3A_7 = arith.constant 0 : i32
    %dma_start3A_8 = arith.constant 0 : i32
    %dma_start3A_9 = tpu.memref_slice %arg6[%dma_start3A, %dma_start3A_8] : memref<3x128xi32, #tpu.memory_space<vmem>> -> memref<1x128xi32, #tpu.memory_space<vmem>>
    %dma_start3A_10 = tpu.memref_squeeze %dma_start3A_9 : memref<1x128xi32, #tpu.memory_space<vmem>> -> memref<128xi32, #tpu.memory_space<vmem>>
    %dma_start3A_11 = tpu.memref_slice %arg2[%multiple_of3A] : memref<320000xi32, #tpu.memory_space<hbm>> -> memref<128xi32, #tpu.memory_space<hbm>>
    %dma_start3A_12 = tpu.memref_slice %arg11[%dma_start3A_7] : memref<3x!tpu.dma_semaphore, #tpu.memory_space<semaphore_mem>> -> memref<1x!tpu.dma_semaphore, #tpu.memory_space<semaphore_mem>>
    %dma_start3A_13 = tpu.memref_squeeze %dma_start3A_12 : memref<1x!tpu.dma_semaphore, #tpu.memory_space<semaphore_mem>> -> memref<!tpu.dma_semaphore, #tpu.memory_space<semaphore_mem>>
    %dma_start3A_14 = arith.constant 0 : i32
    %dma_start3A_15 = tpu.memref_slice %arg6[%dma_start3A, %dma_start3A_14] : memref<3x128xi32, #tpu.memory_space<vmem>> -> memref<1x128xi32, #tpu.memory_space<vmem>>
    %dma_start3A_16 = tpu.memref_squeeze %dma_start3A_15 : memref<1x128xi32, #tpu.memory_space<vmem>> -> memref<128xi32, #tpu.memory_space<vmem>>
    %dma_start3A_17 = tpu.memref_slice %arg2[%multiple_of3A] : memref<320000xi32, #tpu.memory_space<hbm>> -> memref<128xi32, #tpu.memory_space<hbm>>
    tpu.enqueue_dma source(%dma_start3A_17 : memref<128xi32, #tpu.memory_space<hbm>>) target(%dma_start3A_16 : memref<128xi32, #tpu.memory_space<vmem>>) target_semaphore(%dma_start3A_13 : memref<!tpu.dma_semaphore, #tpu.memory_space<semaphore_mem>>)
    %mul3A_18 = arith.constant 160000 : i32
    %mul3A_19 = arith.muli %arg0, %mul3A_18 : i32
    %mul3A_20 = arith.constant 10000 : i32
    %mul3A_21 = arith.muli %arg1, %mul3A_20 : i32
    %add3A_22 = arith.addi %mul3A_19, %mul3A_21 : i32
    %add3A_23 = arith.constant 128 : i32
    %add3A_24 = arith.addi %add3A_22, %add3A_23 : i32
    %multiple_of3A_25 = tpu.assume_multiple %add3A_24, 8 : i32
    %dma_start3A_26 = arith.constant 1 : i32
    %dma_start3A_27 = arith.constant 1 : i32
    %dma_start3A_28 = arith.constant 0 : i32
    %dma_start3A_29 = tpu.memref_slice %arg6[%dma_start3A_26, %dma_start3A_28] : memref<3x128xi32, #tpu.memory_space<vmem>> -> memref<1x128xi32, #tpu.memory_space<vmem>>
    %dma_start3A_30 = tpu.memref_squeeze %dma_start3A_29 : memref<1x128xi32, #tpu.memory_space<vmem>> -> memref<128xi32, #tpu.memory_space<vmem>>
    %dma_start3A_31 = tpu.memref_slice %arg2[%multiple_of3A_25] : memref<320000xi32, #tpu.memory_space<hbm>> -> memref<128xi32, #tpu.memory_space<hbm>>
    %dma_start3A_32 = tpu.memref_slice %arg11[%dma_start3A_27] : memref<3x!tpu.dma_semaphore, #tpu.memory_space<semaphore_mem>> -> memref<1x!tpu.dma_semaphore, #tpu.memory_space<semaphore_mem>>
    %dma_start3A_33 = tpu.memref_squeeze %dma_start3A_32 : memref<1x!tpu.dma_semaphore, #tpu.memory_space<semaphore_mem>> -> memref<!tpu.dma_semaphore, #tpu.memory_space<semaphore_mem>>
    %dma_start3A_34 = arith.constant 0 : i32
    %dma_start3A_35 = tpu.memref_slice %arg6[%dma_start3A_26, %dma_start3A_34] : memref<3x128xi32, #tpu.memory_space<vmem>> -> memref<1x128xi32, #tpu.memory_space<vmem>>
    %dma_start3A_36 = tpu.memref_squeeze %dma_start3A_35 : memref<1x128xi32, #tpu.memory_space<vmem>> -> memref<128xi32, #tpu.memory_space<vmem>>
    %dma_start3A_37 = tpu.memref_slice %arg2[%multiple_of3A_25] : memref<320000xi32, #tpu.memory_space<hbm>> -> memref<128xi32, #tpu.memory_space<hbm>>
    tpu.enqueue_dma source(%dma_start3A_37 : memref<128xi32, #tpu.memory_space<hbm>>) target(%dma_start3A_36 : memref<128xi32, #tpu.memory_space<vmem>>) target_semaphore(%dma_start3A_33 : memref<!tpu.dma_semaphore, #tpu.memory_space<semaphore_mem>>)
    %scan3A = arith.constant 0 : i32
    %scan3A_38 = arith.constant 0 : i32
    %scan3A_39 = arith.constant 26 : i32
    %scan3A_40 = arith.addi %scan3A_38, %scan3A_39 : i32
    %scan3A_41 = arith.constant 1 : i32
    scf.for %scan3A_84 = %scan3A_38 to %scan3A_40 step %scan3A_41  : i32 {
      %mul3A_85 = arith.constant 3 : i32
      %mul3A_86 = arith.muli %mul3A_85, %scan3A_84 : i32
      %add3A_87 = arith.constant 0 : i32
      %add3A_88 = arith.addi %mul3A_86, %add3A_87 : i32
      %add3A_89 = arith.constant 2 : i32
      %add3A_90 = arith.addi %add3A_88, %add3A_89 : i32
      %jit3A = arith.constant 3 : i32
      %eq3A = arith.constant 0 : i32
      %eq3A_91 = arith.cmpi eq, %jit3A, %eq3A : i32
      %jit3A_92 = arith.constant 1 : i32
      %select_n3A = arith.select %eq3A_91, %jit3A_92, %jit3A : i32
      %rem3A = arith.remsi %add3A_90, %select_n3A : i32
      %ne3A = arith.constant 0 : i32
      %ne3A_93 = arith.cmpi ne, %rem3A, %ne3A : i32
      %lt3A_94 = arith.constant 0 : i32
      %lt3A_95 = arith.cmpi slt, %rem3A, %lt3A_94 : i32
      %lt3A_96 = arith.constant 0 : i32
      %lt3A_97 = arith.cmpi slt, %select_n3A, %lt3A_96 : i32
      %ne3A_98 = arith.xori %lt3A_95, %lt3A_97 : i1
      %and3A = arith.andi %ne3A_98, %ne3A_93 : i1
      %add3A_99 = arith.addi %rem3A, %select_n3A : i32
      %select_n3A_100 = arith.select %and3A, %add3A_99, %rem3A : i32
      %dma_wait3A_101 = arith.constant 0 : i32
      %dma_wait3A_102 = arith.constant 0 : i32
      %dma_wait3A_103 = arith.constant 0 : i32
      %dma_wait3A_104 = tpu.memref_slice %arg6[%dma_wait3A_101, %dma_wait3A_103] : memref<3x128xi32, #tpu.memory_space<vmem>> -> memref<1x128xi32, #tpu.memory_space<vmem>>
      %dma_wait3A_105 = tpu.memref_squeeze %dma_wait3A_104 : memref<1x128xi32, #tpu.memory_space<vmem>> -> memref<128xi32, #tpu.memory_space<vmem>>
      %dma_wait3A_106 = arith.constant 0 : i32
      %dma_wait3A_107 = tpu.memref_slice %arg2[%dma_wait3A_106] : memref<320000xi32, #tpu.memory_space<hbm>> -> memref<128xi32, #tpu.memory_space<hbm>>
      %dma_wait3A_108 = tpu.memref_slice %arg11[%dma_wait3A_102] : memref<3x!tpu.dma_semaphore, #tpu.memory_space<semaphore_mem>> -> memref<1x!tpu.dma_semaphore, #tpu.memory_space<semaphore_mem>>
      %dma_wait3A_109 = tpu.memref_squeeze %dma_wait3A_108 : memref<1x!tpu.dma_semaphore, #tpu.memory_space<semaphore_mem>> -> memref<!tpu.dma_semaphore, #tpu.memory_space<semaphore_mem>>
      %dma_wait3A_110 = arith.constant 0 : i32
      %dma_wait3A_111 = tpu.memref_slice %arg6[%dma_wait3A_101, %dma_wait3A_110] : memref<3x128xi32, #tpu.memory_space<vmem>> -> memref<1x128xi32, #tpu.memory_space<vmem>>
      %dma_wait3A_112 = tpu.memref_squeeze %dma_wait3A_111 : memref<1x128xi32, #tpu.memory_space<vmem>> -> memref<128xi32, #tpu.memory_space<vmem>>
      %dma_wait3A_113 = arith.constant 0 : i32
      %dma_wait3A_114 = tpu.memref_slice %arg2[%dma_wait3A_113] : memref<320000xi32, #tpu.memory_space<hbm>> -> memref<128xi32, #tpu.memory_space<hbm>>
      tpu.wait_dma2 semaphore(%dma_wait3A_109 : memref<!tpu.dma_semaphore, #tpu.memory_space<semaphore_mem>>) src(%dma_wait3A_114 : memref<128xi32, #tpu.memory_space<hbm>>) dst(%dma_wait3A_112 : memref<128xi32, #tpu.memory_space<vmem>>)
      %dma_start3A_115 = arith.constant 0 : i32
      %dma_start3A_116 = arith.constant 0 : i32
      %dma_start3A_117 = arith.constant 0 : i32
      %dma_start3A_118 = tpu.memref_slice %arg6[%dma_start3A_115, %dma_start3A_117] : memref<3x128xi32, #tpu.memory_space<vmem>> -> memref<1x128xi32, #tpu.memory_space<vmem>>
      %dma_start3A_119 = tpu.memref_squeeze %dma_start3A_118 : memref<1x128xi32, #tpu.memory_space<vmem>> -> memref<128xi32, #tpu.memory_space<vmem>>
      %dma_start3A_120 = arith.constant 0 : i32
      %dma_start3A_121 = tpu.memref_slice %arg10[%dma_start3A_120] : memref<10000xf32, #tpu.memory_space<vmem_shared>> -> memref<10000xf32, #tpu.memory_space<vmem_shared>>
      %dma_start3A_122 = tpu.memref_slice %arg12[%dma_start3A_116] : memref<3x!tpu.dma_semaphore, #tpu.memory_space<semaphore_mem>> -> memref<1x!tpu.dma_semaphore, #tpu.memory_space<semaphore_mem>>
      %dma_start3A_123 = tpu.memref_squeeze %dma_start3A_122 : memref<1x!tpu.dma_semaphore, #tpu.memory_space<semaphore_mem>> -> memref<!tpu.dma_semaphore, #tpu.memory_space<semaphore_mem>>
      tpu.enqueue_indirect_dma source(%arg8 : memref<128xf32, #tpu.memory_space<vmem>>) target(%dma_start3A_121 : memref<10000xf32, #tpu.memory_space<vmem_shared>>) offsets(%dma_start3A_119 : memref<128xi32, #tpu.memory_space<vmem>>) semaphore(%dma_start3A_123 : memref<!tpu.dma_semaphore, #tpu.memory_space<semaphore_mem>>) {add = true}
      %gt3A = arith.constant 0 : i32
      %gt3A_124 = arith.cmpi sgt, %scan3A_84, %gt3A : i32
      %convert_element_type3A_125 = arith.extui %gt3A_124 : i1 to i32
      %cond3A_126 = arith.constant 0 : i32
      %cond3A_127 = arith.cmpi ne, %convert_element_type3A_125, %cond3A_126 : i32
      scf.if %cond3A_127 {
        %dma_wait3A_259 = arith.constant 0 : i32
        %dma_wait3A_260 = tpu.memref_slice %arg6[%select_n3A_100, %dma_wait3A_259] : memref<3x128xi32, #tpu.memory_space<vmem>> -> memref<1x128xi32, #tpu.memory_space<vmem>>
        %dma_wait3A_261 = tpu.memref_squeeze %dma_wait3A_260 : memref<1x128xi32, #tpu.memory_space<vmem>> -> memref<128xi32, #tpu.memory_space<vmem>>
        %dma_wait3A_262 = arith.constant 0 : i32
        %dma_wait3A_263 = tpu.memref_slice %arg10[%dma_wait3A_262] : memref<10000xf32, #tpu.memory_space<vmem_shared>> -> memref<10000xf32, #tpu.memory_space<vmem_shared>>
        %dma_wait3A_264 = tpu.memref_slice %arg12[%select_n3A_100] : memref<3x!tpu.dma_semaphore, #tpu.memory_space<semaphore_mem>> -> memref<1x!tpu.dma_semaphore, #tpu.memory_space<semaphore_mem>>
        %dma_wait3A_265 = tpu.memref_squeeze %dma_wait3A_264 : memref<1x!tpu.dma_semaphore, #tpu.memory_space<semaphore_mem>> -> memref<!tpu.dma_semaphore, #tpu.memory_space<semaphore_mem>>
        tpu.wait_indirect_dma semaphore(%dma_wait3A_265 : memref<!tpu.dma_semaphore, #tpu.memory_space<semaphore_mem>>) src(%arg8 : memref<128xf32, #tpu.memory_space<vmem>>) dst(%dma_wait3A_263 : memref<10000xf32, #tpu.memory_space<vmem_shared>>)
      } else {
      }
      %add3A_128 = arith.constant 2 : i32
      %add3A_129 = arith.addi %add3A_88, %add3A_128 : i32
      %mul3A_130 = arith.constant 160000 : i32
      %mul3A_131 = arith.muli %arg0, %mul3A_130 : i32
      %mul3A_132 = arith.constant 10000 : i32
      %mul3A_133 = arith.muli %arg1, %mul3A_132 : i32
      %add3A_134 = arith.addi %mul3A_131, %mul3A_133 : i32
      %mul3A_135 = arith.constant 128 : i32
      %mul3A_136 = arith.muli %add3A_129, %mul3A_135 : i32
      %add3A_137 = arith.addi %add3A_134, %mul3A_136 : i32
      %multiple_of3A_138 = tpu.assume_multiple %add3A_137, 8 : i32
      %dma_start3A_139 = arith.constant 0 : i32
      %dma_start3A_140 = tpu.memref_slice %arg6[%select_n3A_100, %dma_start3A_139] : memref<3x128xi32, #tpu.memory_space<vmem>> -> memref<1x128xi32, #tpu.memory_space<vmem>>
      %dma_start3A_141 = tpu.memref_squeeze %dma_start3A_140 : memref<1x128xi32, #tpu.memory_space<vmem>> -> memref<128xi32, #tpu.memory_space<vmem>>
      %dma_start3A_142 = tpu.memref_slice %arg2[%multiple_of3A_138] : memref<320000xi32, #tpu.memory_space<hbm>> -> memref<128xi32, #tpu.memory_space<hbm>>
      %dma_start3A_143 = tpu.memref_slice %arg11[%select_n3A_100] : memref<3x!tpu.dma_semaphore, #tpu.memory_space<semaphore_mem>> -> memref<1x!tpu.dma_semaphore, #tpu.memory_space<semaphore_mem>>
      %dma_start3A_144 = tpu.memref_squeeze %dma_start3A_143 : memref<1x!tpu.dma_semaphore, #tpu.memory_space<semaphore_mem>> -> memref<!tpu.dma_semaphore, #tpu.memory_space<semaphore_mem>>
      %dma_start3A_145 = arith.constant 0 : i32
      %dma_start3A_146 = tpu.memref_slice %arg6[%select_n3A_100, %dma_start3A_145] : memref<3x128xi32, #tpu.memory_space<vmem>> -> memref<1x128xi32, #tpu.memory_space<vmem>>
      %dma_start3A_147 = tpu.memref_squeeze %dma_start3A_146 : memref<1x128xi32, #tpu.memory_space<vmem>> -> memref<128xi32, #tpu.memory_space<vmem>>
      %dma_start3A_148 = tpu.memref_slice %arg2[%multiple_of3A_138] : memref<320000xi32, #tpu.memory_space<hbm>> -> memref<128xi32, #tpu.memory_space<hbm>>
      tpu.enqueue_dma source(%dma_start3A_148 : memref<128xi32, #tpu.memory_space<hbm>>) target(%dma_start3A_147 : memref<128xi32, #tpu.memory_space<vmem>>) target_semaphore(%dma_start3A_144 : memref<!tpu.dma_semaphore, #tpu.memory_space<semaphore_mem>>)
      %mul3A_149 = arith.constant 3 : i32
      %mul3A_150 = arith.muli %mul3A_149, %scan3A_84 : i32
      %add3A_151 = arith.constant 1 : i32
      %add3A_152 = arith.addi %mul3A_150, %add3A_151 : i32
      %add3A_153 = arith.constant 2 : i32
      %add3A_154 = arith.addi %add3A_152, %add3A_153 : i32
      %jit3A_155 = arith.constant 3 : i32
      %eq3A_156 = arith.constant 0 : i32
      %eq3A_157 = arith.cmpi eq, %jit3A_155, %eq3A_156 : i32
      %jit3A_158 = arith.constant 1 : i32
      %select_n3A_159 = arith.select %eq3A_157, %jit3A_158, %jit3A_155 : i32
      %rem3A_160 = arith.remsi %add3A_154, %select_n3A_159 : i32
      %ne3A_161 = arith.constant 0 : i32
      %ne3A_162 = arith.cmpi ne, %rem3A_160, %ne3A_161 : i32
      %lt3A_163 = arith.constant 0 : i32
      %lt3A_164 = arith.cmpi slt, %rem3A_160, %lt3A_163 : i32
      %lt3A_165 = arith.constant 0 : i32
      %lt3A_166 = arith.cmpi slt, %select_n3A_159, %lt3A_165 : i32
      %ne3A_167 = arith.xori %lt3A_164, %lt3A_166 : i1
      %and3A_168 = arith.andi %ne3A_167, %ne3A_162 : i1
      %add3A_169 = arith.addi %rem3A_160, %select_n3A_159 : i32
      %select_n3A_170 = arith.select %and3A_168, %add3A_169, %rem3A_160 : i32
      %dma_wait3A_171 = arith.constant 1 : i32
      %dma_wait3A_172 = arith.constant 1 : i32
      %dma_wait3A_173 = arith.constant 0 : i32
      %dma_wait3A_174 = tpu.memref_slice %arg6[%dma_wait3A_171, %dma_wait3A_173] : memref<3x128xi32, #tpu.memory_space<vmem>> -> memref<1x128xi32, #tpu.memory_space<vmem>>
      %dma_wait3A_175 = tpu.memref_squeeze %dma_wait3A_174 : memref<1x128xi32, #tpu.memory_space<vmem>> -> memref<128xi32, #tpu.memory_space<vmem>>
      %dma_wait3A_176 = arith.constant 0 : i32
      %dma_wait3A_177 = tpu.memref_slice %arg2[%dma_wait3A_176] : memref<320000xi32, #tpu.memory_space<hbm>> -> memref<128xi32, #tpu.memory_space<hbm>>
      %dma_wait3A_178 = tpu.memref_slice %arg11[%dma_wait3A_172] : memref<3x!tpu.dma_semaphore, #tpu.memory_space<semaphore_mem>> -> memref<1x!tpu.dma_semaphore, #tpu.memory_space<semaphore_mem>>
      %dma_wait3A_179 = tpu.memref_squeeze %dma_wait3A_178 : memref<1x!tpu.dma_semaphore, #tpu.memory_space<semaphore_mem>> -> memref<!tpu.dma_semaphore, #tpu.memory_space<semaphore_mem>>
      %dma_wait3A_180 = arith.constant 0 : i32
      %dma_wait3A_181 = tpu.memref_slice %arg6[%dma_wait3A_171, %dma_wait3A_180] : memref<3x128xi32, #tpu.memory_space<vmem>> -> memref<1x128xi32, #tpu.memory_space<vmem>>
      %dma_wait3A_182 = tpu.memref_squeeze %dma_wait3A_181 : memref<1x128xi32, #tpu.memory_space<vmem>> -> memref<128xi32, #tpu.memory_space<vmem>>
      %dma_wait3A_183 = arith.constant 0 : i32
      %dma_wait3A_184 = tpu.memref_slice %arg2[%dma_wait3A_183] : memref<320000xi32, #tpu.memory_space<hbm>> -> memref<128xi32, #tpu.memory_space<hbm>>
      tpu.wait_dma2 semaphore(%dma_wait3A_179 : memref<!tpu.dma_semaphore, #tpu.memory_space<semaphore_mem>>) src(%dma_wait3A_184 : memref<128xi32, #tpu.memory_space<hbm>>) dst(%dma_wait3A_182 : memref<128xi32, #tpu.memory_space<vmem>>)
      %dma_start3A_185 = arith.constant 1 : i32
      %dma_start3A_186 = arith.constant 1 : i32
      %dma_start3A_187 = arith.constant 0 : i32
      %dma_start3A_188 = tpu.memref_slice %arg6[%dma_start3A_185, %dma_start3A_187] : memref<3x128xi32, #tpu.memory_space<vmem>> -> memref<1x128xi32, #tpu.memory_space<vmem>>
      %dma_start3A_189 = tpu.memref_squeeze %dma_start3A_188 : memref<1x128xi32, #tpu.memory_space<vmem>> -> memref<128xi32, #tpu.memory_space<vmem>>
      %dma_start3A_190 = arith.constant 0 : i32
      %dma_start3A_191 = tpu.memref_slice %arg10[%dma_start3A_190] : memref<10000xf32, #tpu.memory_space<vmem_shared>> -> memref<10000xf32, #tpu.memory_space<vmem_shared>>
      %dma_start3A_192 = tpu.memref_slice %arg12[%dma_start3A_186] : memref<3x!tpu.dma_semaphore, #tpu.memory_space<semaphore_mem>> -> memref<1x!tpu.dma_semaphore, #tpu.memory_space<semaphore_mem>>
      %dma_start3A_193 = tpu.memref_squeeze %dma_start3A_192 : memref<1x!tpu.dma_semaphore, #tpu.memory_space<semaphore_mem>> -> memref<!tpu.dma_semaphore, #tpu.memory_space<semaphore_mem>>
      tpu.enqueue_indirect_dma source(%arg8 : memref<128xf32, #tpu.memory_space<vmem>>) target(%dma_start3A_191 : memref<10000xf32, #tpu.memory_space<vmem_shared>>) offsets(%dma_start3A_189 : memref<128xi32, #tpu.memory_space<vmem>>) semaphore(%dma_start3A_193 : memref<!tpu.dma_semaphore, #tpu.memory_space<semaphore_mem>>) {add = true}
      %lt3A_194 = arith.constant 25 : i32
      %lt3A_195 = arith.cmpi slt, %scan3A_84, %lt3A_194 : i32
      %convert_element_type3A_196 = arith.extui %lt3A_195 : i1 to i32
      %cond3A_197 = arith.constant 0 : i32
      %cond3A_198 = arith.cmpi ne, %convert_element_type3A_196, %cond3A_197 : i32
      scf.if %cond3A_198 {
        %dma_wait3A_259 = arith.constant 0 : i32
        %dma_wait3A_260 = tpu.memref_slice %arg6[%select_n3A_170, %dma_wait3A_259] : memref<3x128xi32, #tpu.memory_space<vmem>> -> memref<1x128xi32, #tpu.memory_space<vmem>>
        %dma_wait3A_261 = tpu.memref_squeeze %dma_wait3A_260 : memref<1x128xi32, #tpu.memory_space<vmem>> -> memref<128xi32, #tpu.memory_space<vmem>>
        %dma_wait3A_262 = arith.constant 0 : i32
        %dma_wait3A_263 = tpu.memref_slice %arg10[%dma_wait3A_262] : memref<10000xf32, #tpu.memory_space<vmem_shared>> -> memref<10000xf32, #tpu.memory_space<vmem_shared>>
        %dma_wait3A_264 = tpu.memref_slice %arg12[%select_n3A_170] : memref<3x!tpu.dma_semaphore, #tpu.memory_space<semaphore_mem>> -> memref<1x!tpu.dma_semaphore, #tpu.memory_space<semaphore_mem>>
        %dma_wait3A_265 = tpu.memref_squeeze %dma_wait3A_264 : memref<1x!tpu.dma_semaphore, #tpu.memory_space<semaphore_mem>> -> memref<!tpu.dma_semaphore, #tpu.memory_space<semaphore_mem>>
        tpu.wait_indirect_dma semaphore(%dma_wait3A_265 : memref<!tpu.dma_semaphore, #tpu.memory_space<semaphore_mem>>) src(%arg8 : memref<128xf32, #tpu.memory_space<vmem>>) dst(%dma_wait3A_263 : memref<10000xf32, #tpu.memory_space<vmem_shared>>)
      } else {
      }
      %lt3A_199 = arith.constant 25 : i32
      %lt3A_200 = arith.cmpi slt, %scan3A_84, %lt3A_199 : i32
      %convert_element_type3A_201 = arith.extui %lt3A_200 : i1 to i32
      %cond3A_202 = arith.constant 0 : i32
      %cond3A_203 = arith.cmpi ne, %convert_element_type3A_201, %cond3A_202 : i32
      scf.if %cond3A_203 {
        %add3A_259 = arith.constant 2 : i32
        %add3A_260 = arith.addi %add3A_152, %add3A_259 : i32
        %mul3A_261 = arith.constant 160000 : i32
        %mul3A_262 = arith.muli %arg0, %mul3A_261 : i32
        %mul3A_263 = arith.constant 10000 : i32
        %mul3A_264 = arith.muli %arg1, %mul3A_263 : i32
        %add3A_265 = arith.addi %mul3A_262, %mul3A_264 : i32
        %mul3A_266 = arith.constant 128 : i32
        %mul3A_267 = arith.muli %add3A_260, %mul3A_266 : i32
        %add3A_268 = arith.addi %add3A_265, %mul3A_267 : i32
        %multiple_of3A_269 = tpu.assume_multiple %add3A_268, 8 : i32
        %dma_start3A_270 = arith.constant 0 : i32
        %dma_start3A_271 = tpu.memref_slice %arg6[%select_n3A_170, %dma_start3A_270] : memref<3x128xi32, #tpu.memory_space<vmem>> -> memref<1x128xi32, #tpu.memory_space<vmem>>
        %dma_start3A_272 = tpu.memref_squeeze %dma_start3A_271 : memref<1x128xi32, #tpu.memory_space<vmem>> -> memref<128xi32, #tpu.memory_space<vmem>>
        %dma_start3A_273 = tpu.memref_slice %arg2[%multiple_of3A_269] : memref<320000xi32, #tpu.memory_space<hbm>> -> memref<128xi32, #tpu.memory_space<hbm>>
        %dma_start3A_274 = tpu.memref_slice %arg11[%select_n3A_170] : memref<3x!tpu.dma_semaphore, #tpu.memory_space<semaphore_mem>> -> memref<1x!tpu.dma_semaphore, #tpu.memory_space<semaphore_mem>>
        %dma_start3A_275 = tpu.memref_squeeze %dma_start3A_274 : memref<1x!tpu.dma_semaphore, #tpu.memory_space<semaphore_mem>> -> memref<!tpu.dma_semaphore, #tpu.memory_space<semaphore_mem>>
        %dma_start3A_276 = arith.constant 0 : i32
        %dma_start3A_277 = tpu.memref_slice %arg6[%select_n3A_170, %dma_start3A_276] : memref<3x128xi32, #tpu.memory_space<vmem>> -> memref<1x128xi32, #tpu.memory_space<vmem>>
        %dma_start3A_278 = tpu.memref_squeeze %dma_start3A_277 : memref<1x128xi32, #tpu.memory_space<vmem>> -> memref<128xi32, #tpu.memory_space<vmem>>
        %dma_start3A_279 = tpu.memref_slice %arg2[%multiple_of3A_269] : memref<320000xi32, #tpu.memory_space<hbm>> -> memref<128xi32, #tpu.memory_space<hbm>>
        tpu.enqueue_dma source(%dma_start3A_279 : memref<128xi32, #tpu.memory_space<hbm>>) target(%dma_start3A_278 : memref<128xi32, #tpu.memory_space<vmem>>) target_semaphore(%dma_start3A_275 : memref<!tpu.dma_semaphore, #tpu.memory_space<semaphore_mem>>)
      } else {
      }
      %mul3A_204 = arith.constant 3 : i32
      %mul3A_205 = arith.muli %mul3A_204, %scan3A_84 : i32
      %add3A_206 = arith.constant 2 : i32
      %add3A_207 = arith.addi %mul3A_205, %add3A_206 : i32
      %add3A_208 = arith.constant 2 : i32
      %add3A_209 = arith.addi %add3A_207, %add3A_208 : i32
      %jit3A_210 = arith.constant 3 : i32
      %eq3A_211 = arith.constant 0 : i32
      %eq3A_212 = arith.cmpi eq, %jit3A_210, %eq3A_211 : i32
      %jit3A_213 = arith.constant 1 : i32
      %select_n3A_214 = arith.select %eq3A_212, %jit3A_213, %jit3A_210 : i32
      %rem3A_215 = arith.remsi %add3A_209, %select_n3A_214 : i32
      %ne3A_216 = arith.constant 0 : i32
      %ne3A_217 = arith.cmpi ne, %rem3A_215, %ne3A_216 : i32
      %lt3A_218 = arith.constant 0 : i32
      %lt3A_219 = arith.cmpi slt, %rem3A_215, %lt3A_218 : i32
      %lt3A_220 = arith.constant 0 : i32
      %lt3A_221 = arith.cmpi slt, %select_n3A_214, %lt3A_220 : i32
      %ne3A_222 = arith.xori %lt3A_219, %lt3A_221 : i1
      %and3A_223 = arith.andi %ne3A_222, %ne3A_217 : i1
      %add3A_224 = arith.addi %rem3A_215, %select_n3A_214 : i32
      %select_n3A_225 = arith.select %and3A_223, %add3A_224, %rem3A_215 : i32
      %dma_wait3A_226 = arith.constant 2 : i32
      %dma_wait3A_227 = arith.constant 2 : i32
      %dma_wait3A_228 = arith.constant 0 : i32
      %dma_wait3A_229 = tpu.memref_slice %arg6[%dma_wait3A_226, %dma_wait3A_228] : memref<3x128xi32, #tpu.memory_space<vmem>> -> memref<1x128xi32, #tpu.memory_space<vmem>>
      %dma_wait3A_230 = tpu.memref_squeeze %dma_wait3A_229 : memref<1x128xi32, #tpu.memory_space<vmem>> -> memref<128xi32, #tpu.memory_space<vmem>>
      %dma_wait3A_231 = arith.constant 0 : i32
      %dma_wait3A_232 = tpu.memref_slice %arg2[%dma_wait3A_231] : memref<320000xi32, #tpu.memory_space<hbm>> -> memref<128xi32, #tpu.memory_space<hbm>>
      %dma_wait3A_233 = tpu.memref_slice %arg11[%dma_wait3A_227] : memref<3x!tpu.dma_semaphore, #tpu.memory_space<semaphore_mem>> -> memref<1x!tpu.dma_semaphore, #tpu.memory_space<semaphore_mem>>
      %dma_wait3A_234 = tpu.memref_squeeze %dma_wait3A_233 : memref<1x!tpu.dma_semaphore, #tpu.memory_space<semaphore_mem>> -> memref<!tpu.dma_semaphore, #tpu.memory_space<semaphore_mem>>
      %dma_wait3A_235 = arith.constant 0 : i32
      %dma_wait3A_236 = tpu.memref_slice %arg6[%dma_wait3A_226, %dma_wait3A_235] : memref<3x128xi32, #tpu.memory_space<vmem>> -> memref<1x128xi32, #tpu.memory_space<vmem>>
      %dma_wait3A_237 = tpu.memref_squeeze %dma_wait3A_236 : memref<1x128xi32, #tpu.memory_space<vmem>> -> memref<128xi32, #tpu.memory_space<vmem>>
      %dma_wait3A_238 = arith.constant 0 : i32
      %dma_wait3A_239 = tpu.memref_slice %arg2[%dma_wait3A_238] : memref<320000xi32, #tpu.memory_space<hbm>> -> memref<128xi32, #tpu.memory_space<hbm>>
      tpu.wait_dma2 semaphore(%dma_wait3A_234 : memref<!tpu.dma_semaphore, #tpu.memory_space<semaphore_mem>>) src(%dma_wait3A_239 : memref<128xi32, #tpu.memory_space<hbm>>) dst(%dma_wait3A_237 : memref<128xi32, #tpu.memory_space<vmem>>)
      %dma_start3A_240 = arith.constant 2 : i32
      %dma_start3A_241 = arith.constant 2 : i32
      %dma_start3A_242 = arith.constant 0 : i32
      %dma_start3A_243 = tpu.memref_slice %arg6[%dma_start3A_240, %dma_start3A_242] : memref<3x128xi32, #tpu.memory_space<vmem>> -> memref<1x128xi32, #tpu.memory_space<vmem>>
      %dma_start3A_244 = tpu.memref_squeeze %dma_start3A_243 : memref<1x128xi32, #tpu.memory_space<vmem>> -> memref<128xi32, #tpu.memory_space<vmem>>
      %dma_start3A_245 = arith.constant 0 : i32
      %dma_start3A_246 = tpu.memref_slice %arg10[%dma_start3A_245] : memref<10000xf32, #tpu.memory_space<vmem_shared>> -> memref<10000xf32, #tpu.memory_space<vmem_shared>>
      %dma_start3A_247 = tpu.memref_slice %arg12[%dma_start3A_241] : memref<3x!tpu.dma_semaphore, #tpu.memory_space<semaphore_mem>> -> memref<1x!tpu.dma_semaphore, #tpu.memory_space<semaphore_mem>>
      %dma_start3A_248 = tpu.memref_squeeze %dma_start3A_247 : memref<1x!tpu.dma_semaphore, #tpu.memory_space<semaphore_mem>> -> memref<!tpu.dma_semaphore, #tpu.memory_space<semaphore_mem>>
      tpu.enqueue_indirect_dma source(%arg8 : memref<128xf32, #tpu.memory_space<vmem>>) target(%dma_start3A_246 : memref<10000xf32, #tpu.memory_space<vmem_shared>>) offsets(%dma_start3A_244 : memref<128xi32, #tpu.memory_space<vmem>>) semaphore(%dma_start3A_248 : memref<!tpu.dma_semaphore, #tpu.memory_space<semaphore_mem>>) {add = true}
      %lt3A_249 = arith.constant 25 : i32
      %lt3A_250 = arith.cmpi slt, %scan3A_84, %lt3A_249 : i32
      %convert_element_type3A_251 = arith.extui %lt3A_250 : i1 to i32
      %cond3A_252 = arith.constant 0 : i32
      %cond3A_253 = arith.cmpi ne, %convert_element_type3A_251, %cond3A_252 : i32
      scf.if %cond3A_253 {
        %dma_wait3A_259 = arith.constant 0 : i32
        %dma_wait3A_260 = tpu.memref_slice %arg6[%select_n3A_225, %dma_wait3A_259] : memref<3x128xi32, #tpu.memory_space<vmem>> -> memref<1x128xi32, #tpu.memory_space<vmem>>
        %dma_wait3A_261 = tpu.memref_squeeze %dma_wait3A_260 : memref<1x128xi32, #tpu.memory_space<vmem>> -> memref<128xi32, #tpu.memory_space<vmem>>
        %dma_wait3A_262 = arith.constant 0 : i32
        %dma_wait3A_263 = tpu.memref_slice %arg10[%dma_wait3A_262] : memref<10000xf32, #tpu.memory_space<vmem_shared>> -> memref<10000xf32, #tpu.memory_space<vmem_shared>>
        %dma_wait3A_264 = tpu.memref_slice %arg12[%select_n3A_225] : memref<3x!tpu.dma_semaphore, #tpu.memory_space<semaphore_mem>> -> memref<1x!tpu.dma_semaphore, #tpu.memory_space<semaphore_mem>>
        %dma_wait3A_265 = tpu.memref_squeeze %dma_wait3A_264 : memref<1x!tpu.dma_semaphore, #tpu.memory_space<semaphore_mem>> -> memref<!tpu.dma_semaphore, #tpu.memory_space<semaphore_mem>>
        tpu.wait_indirect_dma semaphore(%dma_wait3A_265 : memref<!tpu.dma_semaphore, #tpu.memory_space<semaphore_mem>>) src(%arg8 : memref<128xf32, #tpu.memory_space<vmem>>) dst(%dma_wait3A_263 : memref<10000xf32, #tpu.memory_space<vmem_shared>>)
      } else {
      }
      %lt3A_254 = arith.constant 25 : i32
      %lt3A_255 = arith.cmpi slt, %scan3A_84, %lt3A_254 : i32
      %convert_element_type3A_256 = arith.extui %lt3A_255 : i1 to i32
      %cond3A_257 = arith.constant 0 : i32
      %cond3A_258 = arith.cmpi ne, %convert_element_type3A_256, %cond3A_257 : i32
      scf.if %cond3A_258 {
        %add3A_259 = arith.constant 2 : i32
        %add3A_260 = arith.addi %add3A_207, %add3A_259 : i32
        %mul3A_261 = arith.constant 160000 : i32
        %mul3A_262 = arith.muli %arg0, %mul3A_261 : i32
        %mul3A_263 = arith.constant 10000 : i32
        %mul3A_264 = arith.muli %arg1, %mul3A_263 : i32
        %add3A_265 = arith.addi %mul3A_262, %mul3A_264 : i32
        %mul3A_266 = arith.constant 128 : i32
        %mul3A_267 = arith.muli %add3A_260, %mul3A_266 : i32
        %add3A_268 = arith.addi %add3A_265, %mul3A_267 : i32
        %multiple_of3A_269 = tpu.assume_multiple %add3A_268, 8 : i32
        %dma_start3A_270 = arith.constant 0 : i32
        %dma_start3A_271 = tpu.memref_slice %arg6[%select_n3A_225, %dma_start3A_270] : memref<3x128xi32, #tpu.memory_space<vmem>> -> memref<1x128xi32, #tpu.memory_space<vmem>>
        %dma_start3A_272 = tpu.memref_squeeze %dma_start3A_271 : memref<1x128xi32, #tpu.memory_space<vmem>> -> memref<128xi32, #tpu.memory_space<vmem>>
        %dma_start3A_273 = tpu.memref_slice %arg2[%multiple_of3A_269] : memref<320000xi32, #tpu.memory_space<hbm>> -> memref<128xi32, #tpu.memory_space<hbm>>
        %dma_start3A_274 = tpu.memref_slice %arg11[%select_n3A_225] : memref<3x!tpu.dma_semaphore, #tpu.memory_space<semaphore_mem>> -> memref<1x!tpu.dma_semaphore, #tpu.memory_space<semaphore_mem>>
        %dma_start3A_275 = tpu.memref_squeeze %dma_start3A_274 : memref<1x!tpu.dma_semaphore, #tpu.memory_space<semaphore_mem>> -> memref<!tpu.dma_semaphore, #tpu.memory_space<semaphore_mem>>
        %dma_start3A_276 = arith.constant 0 : i32
        %dma_start3A_277 = tpu.memref_slice %arg6[%select_n3A_225, %dma_start3A_276] : memref<3x128xi32, #tpu.memory_space<vmem>> -> memref<1x128xi32, #tpu.memory_space<vmem>>
        %dma_start3A_278 = tpu.memref_squeeze %dma_start3A_277 : memref<1x128xi32, #tpu.memory_space<vmem>> -> memref<128xi32, #tpu.memory_space<vmem>>
        %dma_start3A_279 = tpu.memref_slice %arg2[%multiple_of3A_269] : memref<320000xi32, #tpu.memory_space<hbm>> -> memref<128xi32, #tpu.memory_space<hbm>>
        tpu.enqueue_dma source(%dma_start3A_279 : memref<128xi32, #tpu.memory_space<hbm>>) target(%dma_start3A_278 : memref<128xi32, #tpu.memory_space<vmem>>) target_semaphore(%dma_start3A_275 : memref<!tpu.dma_semaphore, #tpu.memory_space<semaphore_mem>>)
      } else {
      }
    }
    %scan3A_42 = arith.constant 26 : i32
    %dma_wait3A = arith.constant 0 : i32
    %dma_wait3A_43 = arith.constant 0 : i32
    %dma_wait3A_44 = arith.constant 0 : i32
    %dma_wait3A_45 = tpu.memref_slice %arg6[%dma_wait3A, %dma_wait3A_44] : memref<3x128xi32, #tpu.memory_space<vmem>> -> memref<1x128xi32, #tpu.memory_space<vmem>>
    %dma_wait3A_46 = tpu.memref_squeeze %dma_wait3A_45 : memref<1x128xi32, #tpu.memory_space<vmem>> -> memref<128xi32, #tpu.memory_space<vmem>>
    %dma_wait3A_47 = arith.constant 0 : i32
    %dma_wait3A_48 = tpu.memref_slice %arg10[%dma_wait3A_47] : memref<10000xf32, #tpu.memory_space<vmem_shared>> -> memref<10000xf32, #tpu.memory_space<vmem_shared>>
    %dma_wait3A_49 = tpu.memref_slice %arg12[%dma_wait3A_43] : memref<3x!tpu.dma_semaphore, #tpu.memory_space<semaphore_mem>> -> memref<1x!tpu.dma_semaphore, #tpu.memory_space<semaphore_mem>>
    %dma_wait3A_50 = tpu.memref_squeeze %dma_wait3A_49 : memref<1x!tpu.dma_semaphore, #tpu.memory_space<semaphore_mem>> -> memref<!tpu.dma_semaphore, #tpu.memory_space<semaphore_mem>>
    tpu.wait_indirect_dma semaphore(%dma_wait3A_50 : memref<!tpu.dma_semaphore, #tpu.memory_space<semaphore_mem>>) src(%arg8 : memref<128xf32, #tpu.memory_space<vmem>>) dst(%dma_wait3A_48 : memref<10000xf32, #tpu.memory_space<vmem_shared>>)
    %dma_wait3A_51 = arith.constant 1 : i32
    %dma_wait3A_52 = arith.constant 1 : i32
    %dma_wait3A_53 = arith.constant 0 : i32
    %dma_wait3A_54 = tpu.memref_slice %arg6[%dma_wait3A_51, %dma_wait3A_53] : memref<3x128xi32, #tpu.memory_space<vmem>> -> memref<1x128xi32, #tpu.memory_space<vmem>>
    %dma_wait3A_55 = tpu.memref_squeeze %dma_wait3A_54 : memref<1x128xi32, #tpu.memory_space<vmem>> -> memref<128xi32, #tpu.memory_space<vmem>>
    %dma_wait3A_56 = arith.constant 0 : i32
    %dma_wait3A_57 = tpu.memref_slice %arg10[%dma_wait3A_56] : memref<10000xf32, #tpu.memory_space<vmem_shared>> -> memref<10000xf32, #tpu.memory_space<vmem_shared>>
    %dma_wait3A_58 = tpu.memref_slice %arg12[%dma_wait3A_52] : memref<3x!tpu.dma_semaphore, #tpu.memory_space<semaphore_mem>> -> memref<1x!tpu.dma_semaphore, #tpu.memory_space<semaphore_mem>>
    %dma_wait3A_59 = tpu.memref_squeeze %dma_wait3A_58 : memref<1x!tpu.dma_semaphore, #tpu.memory_space<semaphore_mem>> -> memref<!tpu.dma_semaphore, #tpu.memory_space<semaphore_mem>>
    tpu.wait_indirect_dma semaphore(%dma_wait3A_59 : memref<!tpu.dma_semaphore, #tpu.memory_space<semaphore_mem>>) src(%arg8 : memref<128xf32, #tpu.memory_space<vmem>>) dst(%dma_wait3A_57 : memref<10000xf32, #tpu.memory_space<vmem_shared>>)
    %dma_wait3A_60 = arith.constant 2 : i32
    %dma_wait3A_61 = arith.constant 2 : i32
    %dma_wait3A_62 = arith.constant 0 : i32
    %dma_wait3A_63 = tpu.memref_slice %arg6[%dma_wait3A_60, %dma_wait3A_62] : memref<3x128xi32, #tpu.memory_space<vmem>> -> memref<1x128xi32, #tpu.memory_space<vmem>>
    %dma_wait3A_64 = tpu.memref_squeeze %dma_wait3A_63 : memref<1x128xi32, #tpu.memory_space<vmem>> -> memref<128xi32, #tpu.memory_space<vmem>>
    %dma_wait3A_65 = arith.constant 0 : i32
    %dma_wait3A_66 = tpu.memref_slice %arg10[%dma_wait3A_65] : memref<10000xf32, #tpu.memory_space<vmem_shared>> -> memref<10000xf32, #tpu.memory_space<vmem_shared>>
    %dma_wait3A_67 = tpu.memref_slice %arg12[%dma_wait3A_61] : memref<3x!tpu.dma_semaphore, #tpu.memory_space<semaphore_mem>> -> memref<1x!tpu.dma_semaphore, #tpu.memory_space<semaphore_mem>>
    %dma_wait3A_68 = tpu.memref_squeeze %dma_wait3A_67 : memref<1x!tpu.dma_semaphore, #tpu.memory_space<semaphore_mem>> -> memref<!tpu.dma_semaphore, #tpu.memory_space<semaphore_mem>>
    tpu.wait_indirect_dma semaphore(%dma_wait3A_68 : memref<!tpu.dma_semaphore, #tpu.memory_space<semaphore_mem>>) src(%arg8 : memref<128xf32, #tpu.memory_space<vmem>>) dst(%dma_wait3A_66 : memref<10000xf32, #tpu.memory_space<vmem_shared>>)
    %mul3A_69 = arith.constant 160000 : i32
    %mul3A_70 = arith.muli %arg0, %mul3A_69 : i32
    %mul3A_71 = arith.constant 10000 : i32
    %mul3A_72 = arith.muli %arg1, %mul3A_71 : i32
    %add3A_73 = arith.addi %mul3A_70, %mul3A_72 : i32
    %add3A_74 = arith.constant 9984 : i32
    %add3A_75 = arith.addi %add3A_73, %add3A_74 : i32
    %multiple_of3A_76 = tpu.assume_multiple %add3A_75, 8 : i32
    %run_scoped3A = arith.constant 0 : i32
    "tpu.region"() ({
      %run_scoped3A_84 = tpu.sem_alloc : memref<!tpu.dma_semaphore, #tpu.memory_space<semaphore_mem>>
      %dma_start3A_85 = arith.constant 0 : i32
      %dma_start3A_86 = tpu.memref_slice %arg7[%run_scoped3A, %dma_start3A_85] : memref<1x16xi32, #tpu.memory_space<vmem>> -> memref<1x16xi32, #tpu.memory_space<vmem>>
      %dma_start3A_87 = tpu.memref_squeeze %dma_start3A_86 : memref<1x16xi32, #tpu.memory_space<vmem>> -> memref<16xi32, #tpu.memory_space<vmem>>
      %dma_start3A_88 = tpu.memref_slice %arg2[%multiple_of3A_76] : memref<320000xi32, #tpu.memory_space<hbm>> -> memref<16xi32, #tpu.memory_space<hbm>>
      %dma_start3A_89 = arith.constant 0 : i32
      %dma_start3A_90 = tpu.memref_slice %arg7[%run_scoped3A, %dma_start3A_89] : memref<1x16xi32, #tpu.memory_space<vmem>> -> memref<1x16xi32, #tpu.memory_space<vmem>>
      %dma_start3A_91 = tpu.memref_squeeze %dma_start3A_90 : memref<1x16xi32, #tpu.memory_space<vmem>> -> memref<16xi32, #tpu.memory_space<vmem>>
      %dma_start3A_92 = tpu.memref_slice %arg2[%multiple_of3A_76] : memref<320000xi32, #tpu.memory_space<hbm>> -> memref<16xi32, #tpu.memory_space<hbm>>
      tpu.enqueue_dma source(%dma_start3A_92 : memref<16xi32, #tpu.memory_space<hbm>>) target(%dma_start3A_91 : memref<16xi32, #tpu.memory_space<vmem>>) target_semaphore(%run_scoped3A_84 : memref<!tpu.dma_semaphore, #tpu.memory_space<semaphore_mem>>)
      %dma_wait3A_93 = arith.constant 0 : i32
      %dma_wait3A_94 = tpu.memref_slice %arg7[%run_scoped3A, %dma_wait3A_93] : memref<1x16xi32, #tpu.memory_space<vmem>> -> memref<1x16xi32, #tpu.memory_space<vmem>>
      %dma_wait3A_95 = tpu.memref_squeeze %dma_wait3A_94 : memref<1x16xi32, #tpu.memory_space<vmem>> -> memref<16xi32, #tpu.memory_space<vmem>>
      %dma_wait3A_96 = tpu.memref_slice %arg2[%multiple_of3A_76] : memref<320000xi32, #tpu.memory_space<hbm>> -> memref<16xi32, #tpu.memory_space<hbm>>
      %dma_wait3A_97 = arith.constant 0 : i32
      %dma_wait3A_98 = tpu.memref_slice %arg7[%run_scoped3A, %dma_wait3A_97] : memref<1x16xi32, #tpu.memory_space<vmem>> -> memref<1x16xi32, #tpu.memory_space<vmem>>
      %dma_wait3A_99 = tpu.memref_squeeze %dma_wait3A_98 : memref<1x16xi32, #tpu.memory_space<vmem>> -> memref<16xi32, #tpu.memory_space<vmem>>
      %dma_wait3A_100 = tpu.memref_slice %arg2[%multiple_of3A_76] : memref<320000xi32, #tpu.memory_space<hbm>> -> memref<16xi32, #tpu.memory_space<hbm>>
      tpu.wait_dma2 semaphore(%run_scoped3A_84 : memref<!tpu.dma_semaphore, #tpu.memory_space<semaphore_mem>>) src(%dma_wait3A_100 : memref<16xi32, #tpu.memory_space<hbm>>) dst(%dma_wait3A_99 : memref<16xi32, #tpu.memory_space<vmem>>)
      tpu.yield
    }) : () -> ()
    %run_scoped3A_77 = arith.constant 0 : i32
    "tpu.region"() ({
      %run_scoped3A_84 = tpu.sem_alloc : memref<!tpu.dma_semaphore, #tpu.memory_space<semaphore_mem>>
      %dma_start3A_85 = arith.constant 0 : i32
      %dma_start3A_86 = tpu.memref_slice %arg8[%dma_start3A_85] : memref<128xf32, #tpu.memory_space<vmem>> -> memref<16xf32, #tpu.memory_space<vmem>>
      %dma_start3A_87 = arith.constant 0 : i32
      %dma_start3A_88 = tpu.memref_slice %arg7[%run_scoped3A_77, %dma_start3A_87] : memref<1x16xi32, #tpu.memory_space<vmem>> -> memref<1x16xi32, #tpu.memory_space<vmem>>
      %dma_start3A_89 = tpu.memref_squeeze %dma_start3A_88 : memref<1x16xi32, #tpu.memory_space<vmem>> -> memref<16xi32, #tpu.memory_space<vmem>>
      %dma_start3A_90 = arith.constant 0 : i32
      %dma_start3A_91 = tpu.memref_slice %arg10[%dma_start3A_90] : memref<10000xf32, #tpu.memory_space<vmem_shared>> -> memref<10000xf32, #tpu.memory_space<vmem_shared>>
      tpu.enqueue_indirect_dma source(%dma_start3A_86 : memref<16xf32, #tpu.memory_space<vmem>>) target(%dma_start3A_91 : memref<10000xf32, #tpu.memory_space<vmem_shared>>) offsets(%dma_start3A_89 : memref<16xi32, #tpu.memory_space<vmem>>) semaphore(%run_scoped3A_84 : memref<!tpu.dma_semaphore, #tpu.memory_space<semaphore_mem>>) {add = true}
      %dma_wait3A_92 = arith.constant 0 : i32
      %dma_wait3A_93 = tpu.memref_slice %arg8[%dma_wait3A_92] : memref<128xf32, #tpu.memory_space<vmem>> -> memref<16xf32, #tpu.memory_space<vmem>>
      %dma_wait3A_94 = arith.constant 0 : i32
      %dma_wait3A_95 = tpu.memref_slice %arg7[%run_scoped3A_77, %dma_wait3A_94] : memref<1x16xi32, #tpu.memory_space<vmem>> -> memref<1x16xi32, #tpu.memory_space<vmem>>
      %dma_wait3A_96 = tpu.memref_squeeze %dma_wait3A_95 : memref<1x16xi32, #tpu.memory_space<vmem>> -> memref<16xi32, #tpu.memory_space<vmem>>
      %dma_wait3A_97 = arith.constant 0 : i32
      %dma_wait3A_98 = tpu.memref_slice %arg10[%dma_wait3A_97] : memref<10000xf32, #tpu.memory_space<vmem_shared>> -> memref<10000xf32, #tpu.memory_space<vmem_shared>>
      tpu.wait_indirect_dma semaphore(%run_scoped3A_84 : memref<!tpu.dma_semaphore, #tpu.memory_space<semaphore_mem>>) src(%dma_wait3A_93 : memref<16xf32, #tpu.memory_space<vmem>>) dst(%dma_wait3A_98 : memref<10000xf32, #tpu.memory_space<vmem_shared>>)
      tpu.yield
    }) : () -> ()
    %barrier3A_78 = arith.constant 0 : index
    tpu.barrier barrier_id(%barrier3A_78)
    %lt3A_79 = arith.constant 10 : i32
    %lt3A_80 = arith.cmpi slt, %arg1, %lt3A_79 : i32
    %convert_element_type3A_81 = arith.extui %lt3A_80 : i1 to i32
    %cond3A_82 = arith.constant 0 : i32
    %cond3A_83 = arith.cmpi ne, %convert_element_type3A_81, %cond3A_82 : i32
    scf.if %cond3A_83 {
      %mul3A_84 = arith.constant 1000 : i32
      %mul3A_85 = arith.muli %arg1, %mul3A_84 : i32
      "tpu.region"() ({
        %run_scoped3A_92 = tpu.sem_alloc : memref<!tpu.dma_semaphore, #tpu.memory_space<semaphore_mem>>
        %dma_start3A_93 = tpu.memref_slice %arg10[%mul3A_85] : memref<10000xf32, #tpu.memory_space<vmem_shared>> -> memref<1000xf32, #tpu.memory_space<vmem_shared>>
        %dma_start3A_94 = tpu.memref_slice %arg10[%mul3A_85] : memref<10000xf32, #tpu.memory_space<vmem_shared>> -> memref<1000xf32, #tpu.memory_space<vmem_shared>>
        tpu.enqueue_dma source(%dma_start3A_94 : memref<1000xf32, #tpu.memory_space<vmem_shared>>) target(%arg9 : memref<1000xf32, #tpu.memory_space<vmem>>) target_semaphore(%run_scoped3A_92 : memref<!tpu.dma_semaphore, #tpu.memory_space<semaphore_mem>>)
        %dma_wait3A_95 = tpu.memref_slice %arg10[%mul3A_85] : memref<10000xf32, #tpu.memory_space<vmem_shared>> -> memref<1000xf32, #tpu.memory_space<vmem_shared>>
        %dma_wait3A_96 = tpu.memref_slice %arg10[%mul3A_85] : memref<10000xf32, #tpu.memory_space<vmem_shared>> -> memref<1000xf32, #tpu.memory_space<vmem_shared>>
        tpu.wait_dma2 semaphore(%run_scoped3A_92 : memref<!tpu.dma_semaphore, #tpu.memory_space<semaphore_mem>>) src(%dma_wait3A_96 : memref<1000xf32, #tpu.memory_space<vmem_shared>>) dst(%arg9 : memref<1000xf32, #tpu.memory_space<vmem>>)
        tpu.yield
      }) : () -> ()
      %mul3A_86 = arith.constant 10000 : i32
      %mul3A_87 = arith.muli %arg0, %mul3A_86 : i32
      %mul3A_88 = arith.constant 1000 : i32
      %mul3A_89 = arith.muli %arg1, %mul3A_88 : i32
      %add3A_90 = arith.addi %mul3A_87, %mul3A_89 : i32
      %multiple_of3A_91 = tpu.assume_multiple %add3A_90, 8 : i32
      "tpu.region"() ({
        %run_scoped3A_92 = tpu.sem_alloc : memref<!tpu.dma_semaphore, #tpu.memory_space<semaphore_mem>>
        %dma_start3A_93 = tpu.memref_slice %arg5[%multiple_of3A_91] : memref<20000xf32, #tpu.memory_space<hbm>> -> memref<1000xf32, #tpu.memory_space<hbm>>
        %dma_start3A_94 = tpu.memref_slice %arg5[%multiple_of3A_91] : memref<20000xf32, #tpu.memory_space<hbm>> -> memref<1000xf32, #tpu.memory_space<hbm>>
        tpu.enqueue_dma source(%arg9 : memref<1000xf32, #tpu.memory_space<vmem>>) target(%dma_start3A_94 : memref<1000xf32, #tpu.memory_space<hbm>>) target_semaphore(%run_scoped3A_92 : memref<!tpu.dma_semaphore, #tpu.memory_space<semaphore_mem>>)
        %dma_wait3A_95 = tpu.memref_slice %arg5[%multiple_of3A_91] : memref<20000xf32, #tpu.memory_space<hbm>> -> memref<1000xf32, #tpu.memory_space<hbm>>
        %dma_wait3A_96 = tpu.memref_slice %arg5[%multiple_of3A_91] : memref<20000xf32, #tpu.memory_space<hbm>> -> memref<1000xf32, #tpu.memory_space<hbm>>
        tpu.wait_dma2 semaphore(%run_scoped3A_92 : memref<!tpu.dma_semaphore, #tpu.memory_space<semaphore_mem>>) src(%arg9 : memref<1000xf32, #tpu.memory_space<vmem>>) dst(%dma_wait3A_96 : memref<1000xf32, #tpu.memory_space<hbm>>)
        tpu.yield
      }) : () -> ()
    } else {
    }
    return
  }
}

</mosaic_0001>

<sc_bundles>
// kernel: gcn_degrees.3.cloned.1.call-start
scs
__scs_entry_jumppad:
0x0: {  	(pc) =	sbr.rel $0x88, $3  }
0x1: {  	(tag) =	ssettag $0x0;
	lr =	simm.s32 $0x1  }
0x2: {  	[smem:$0x3FA0] =	sst lr;
	_ =	strace $0xD0000000  }
0x3: {  	_ = 	snop  }
0x4: {  	_ = 	snop  }
0x5: {  	_ = 	snop  }
0x6: {  	_ = 	snop  }
0x7: {  	_ = 	snop  }
__scs_overlays_trampoline_lowered:
0x8: {  	[smem:$0x3FAF] =	sst s0  }
0x9: {  	[smem:$0x3FB0] =	sst s1  }
0xa: {  	[smem:$0x3FB1] =	sst s2  }
0xb: {  	[smem:$0x3FB2] =	sst s3  }
0xc: {  	[smem:$0x3FB3] =	sst s4  }
0xd: {  	[smem:$0x3FB4] =	sst s5  }
0xe: {  	[smem:$0x3FB5] =	sst s6  }
0xf: {  	[smem:$0x3FB6] =	sst s7  }
0x10: {  	[smem:$0x3FB7] =	sst s8  }
0x11: {  	[smem:$0x3FB8] =	sst s9;
	s0 =	simm.s32 @!p0 $0x0  }
0x12: {  	s1 =	sld [smem:$0x3F9E];
	s0 =	simm.s32 @p0 $0x1  }
0x13: {  	[smem:$0x3FB9] =	sst s0;
	s0 =	simm.s32 @!p1 $0x0  }
0x14: {  	s2 =	sld [smem:$0x3F9D];
	s0 =	simm.s32 @p1 $0x1  }
0x15: {  	[smem:$0x3FBA] =	sst s0;
	s0 =	simm.s32 @!p2 $0x0  }
0x16: {  	s3 =	sld [smem:$0x3FDB];
	s0 =	simm.s32 @p2 $0x1  }
0x17: {  	s4 =	simm.s32 $0x1BF5;
	[smem:$0x3FBC] =	sst s0  }
0x18: {  	s0 =	sld [smem:$0x3F9F];
	_ =	swait.ge [sflag:s4], $0x0  }
0x19: {  	s7 =	sld [smem:$0x3FA0]  }
0x1a: {  	s8 =	sadd.s32 $0xFFFFE003, lr  }
0x1b: {  	s9 =	sadd.s32 $0xFFFFFEF7, lr;
	s5 =	simm.s32 $0xFFFFFFFF;
	p2 =	slt.u32 s8, $0xFFFFF086  }
0x1c: {  	p1 =	slt.u32 s9, $0xF7A;
	s5 =	simm.s32 @!p2 $0x0  }
0x1d: {  	s5 =	simm.s32 @p1 $0x1;
	p0 =	seq.s32 s7, s2  }
0x1e: {  	s7 =	smul.u32 @!p0 $0xF7A, s2;
	p2 =	seq.s32 @!p0 s5, $0x0  }
0x1f: {  	s9 =	smul.u32 $0xF7A, s1;
	s8 =	simm.s32 @!p0 $0x1BF5;
	p2 =	por !p2, p0  }
0x20: {  	[sflag:s8] =	ssyncset.s32 @!p0 $0xFFFFF086;
	s6 =	sadd.s32 @!p0 s3, s7;
	s7 =	simm.s32 @!p0 $0x108  }
0x21: {  	s3 =	sadd.s32 s3, s9;
	s6 =	sadd.s32 @!p0 $0x88, s6;
	s7 =	simm.s32 @p2 $0x1082  }
0x22: {  	[simem:s7], [sflag:s8] =	dma.local @!p0 [hbm:s6], $0xF7A  }
0x23: {  	s9 =	sor.u32 $0xD0000000, s2;
	s6 =	simm.s32 $0x108;
	_ =	swait.ge @!p0 [sflag:s8], $0x0  }
0x24: {  	s3 =	sadd.s32 $0x88, s3;
	s6 =	simm.s32 @!p1 $0x1082;
	[sflag:s4] =	ssyncset.s32 $0xFFFFF086  }
0x25: {  	[simem:s6], [sflag:s4] =	dma.local [hbm:s3], $0xF7A  }
0x26: {  	[smem:$0x3FA0] =	sst s1;
	(tag) =	ssettag s2;
	_ =	strace s9  }
0x27: {  	s1 =	sld [smem:$0x3FB0]  }
0x28: {  	s2 =	sld [smem:$0x3FB1]  }
0x29: {  	s4 =	sld [smem:$0x3FB3]  }
0x2a: {  	p0 =	seq.s32 s5, $0x0;
	s5 =	sld [smem:$0x3FB4]  }
0x2b: {  	s6 =	sld [smem:$0x3FB5]  }
0x2c: {  	s7 =	sld [smem:$0x3FB6]  }
0x2d: {  	s3 =	simm.s32 $0x108;
	s8 =	sld [smem:$0x3FB7]  }
0x2e: {  	s3 =	simm.s32 @!p0 $0x1082;
	s9 =	sld [smem:$0x3FB8]  }
0x2f: {  	lr =	sadd.s32 s0, s3;
	s0 =	sld [smem:$0x3FAF]  }
0x30: {  	s3 =	sld [smem:$0x3FB2]  }
0x31: {  	[smem:$0x3FBB] =	sst s10  }
0x32: {  	s10 =	sld [smem:$0x3FB9];
	_ =	sdelay $0x3  }
0x33: {  	p0 =	seq.s32 s10, $0x1;
	s10 =	sld [smem:$0x3FBB];
	_ =	sdelay $0x3  }
0x34: {  	[smem:$0x3FBB] =	sst s10  }
0x35: {  	s10 =	sld [smem:$0x3FBA];
	_ =	sdelay $0x3  }
0x36: {  	p1 =	seq.s32 s10, $0x1;
	s10 =	sld [smem:$0x3FBB];
	_ =	sdelay $0x3  }
0x37: {  	[smem:$0x3FBB] =	sst s10  }
0x38: {  	s10 =	sld [smem:$0x3FBC]  }
0x39: {  	_ = 	snop;
	(pc) =	sbr.ind lr, $3  }
0x3a: {  	_ = 	snop  }
0x3b: {  	_ = 	snop  }
0x3c: {  	p2 =	seq.s32 s10, $0x1;
	s10 =	sld [smem:$0x3FBB]  }
0x3d: {  	_ =	shalt  }
0x3e: {  	_ =	shalt  }
0x3f: {  	_ =	shalt  }
0x40: {  	_ =	shalt  }
0x41: {  	_ =	shalt  }
0x42: {  	_ =	shalt  }
0x43: {  	_ =	shalt  }
0x44: {  	_ =	shalt  }
0x45: {  	_ =	shalt  }
0x46: {  	_ =	shalt  }
0x47: {  	_ =	shalt  }
0x48: {  	_ =	shalt  }
0x49: {  	_ =	shalt  }
0x4a: {  	_ =	shalt  }
0x4b: {  	_ =	shalt  }
0x4c: {  	_ =	shalt  }
0x4d: {  	_ =	shalt  }
0x4e: {  	_ =	shalt  }
0x4f: {  	_ =	shalt  }
0x50: {  	_ =	shalt  }
0x51: {  	_ =	shalt  }
0x52: {  	_ =	shalt  }
0x53: {  	_ =	shalt  }
0x54: {  	_ =	shalt  }
0x55: {  	_ =	shalt  }
0x56: {  	_ =	shalt  }
0x57: {  	_ =	shalt  }
0x58: {  	_ =	shalt  }
0x59: {  	_ =	shalt  }
0x5a: {  	_ =	shalt  }
0x5b: {  	_ =	shalt  }
0x5c: {  	_ =	shalt  }
0x5d: {  	_ =	shalt  }
0x5e: {  	_ =	shalt  }
0x5f: {  	_ =	shalt  }
0x60: {  	_ =	shalt  }
0x61: {  	_ =	shalt  }
0x62: {  	_ =	shalt  }
0x63: {  	_ =	shalt  }
0x64: {  	_ =	shalt  }
0x65: {  	_ =	shalt  }
0x66: {  	_ =	shalt  }
0x67: {  	_ =	shalt  }
0x68: {  	_ =	shalt  }
0x69: {  	_ =	shalt  }
0x6a: {  	_ =	shalt  }
0x6b: {  	_ =	shalt  }
0x6c: {  	_ =	shalt  }
0x6d: {  	_ =	shalt  }
0x6e: {  	_ =	shalt  }
0x6f: {  	_ =	shalt  }
0x70: {  	_ =	shalt  }
0x71: {  	_ =	shalt  }
0x72: {  	_ =	shalt  }
0x73: {  	_ =	shalt  }
0x74: {  	_ =	shalt  }
0x75: {  	_ =	shalt  }
0x76: {  	_ =	shalt  }
0x77: {  	_ =	shalt  }
0x78: {  	_ =	shalt  }
0x79: {  	_ =	shalt  }
0x7a: {  	_ =	shalt  }
0x7b: {  	_ =	shalt  }
0x7c: {  	_ =	shalt  }
0x7d: {  	_ =	shalt  }
0x7e: {  	_ =	shalt  }
0x7f: {  	_ =	shalt  }
0x80: {  	_ =	shalt  }
0x81: {  	_ =	shalt  }
0x82: {  	_ =	shalt  }
0x83: {  	_ =	shalt  }
0x84: {  	_ =	shalt  }
0x85: {  	_ =	shalt  }
0x86: {  	_ =	shalt  }
0x87: {  	_ =	shalt  }
.Lfunc_end0:
.L_simem_size_0:
called_computation_lowered:
.L_overlay_start_0:
0x88: {  	s2 =	sld [smem:$0x3FD9]  }
0x89: {  	s3 =	sld [smem:$0x3FFE];
	_ =	sdelay $0x1  }
0x8a: {  	s1 =	srdreg.scid  }
0x8b: {  	s0 =	sand.u32 $0x1, s1  }
0x8c: {  	s17 =	sshll.u32 s0, $0xA;
	s2 =	sadd.s32 s3, s2  }
0x8d: {  	s2 =	sadd.s32 s2, s17  }
0x8e: {  	[smem:$0x3FC7] =	sst s2  }
0x8f: {  	_ = 	snop  }
0x90: {  	s2 =	sld [smem:$0x3FD0];
	(tm) =	ssettm $0x1  }
0x91: {  	s18 =	sld [smem:$0x3FFB];
	_ =	sdelay $0x3  }
0x92: {  	_ =	strace s18  }
0x93: {  	s3 =	sld [smem:$0x3FFC];
	_ =	sdelay $0x3  }
0x94: {  	_ =	strace s3  }
0x95: {  	s3 =	sld [smem:$0x3FFD];
	_ =	sdelay $0x3  }
0x96: {  	_ =	strace s3  }
0x97: {  	_ =	strace $0x8FFFFFFF  }
0x98: {  	s19 =	sld [smem:$0x3FDB];
	_ =	sdelay $0x1  }
0x99: {  	s4 =	simm.s32 $_scs_section_size  }
0x9a: {  	s5 =	simm.s32 $_size__tile_overlayer_lowered;
	s6 =	simm.s32 $_tile_overlayer_lowered  }
0x9b: {  	s22 =	simm.s32 $0x1BFF;
	s21 =	sshll.u32 s6, $0x1;
	s3 =	sadd.s32 s4, s19  }
0x9c: {  	s7 =	simm.s32 $0x0;
	s20 =	sshll.u32 s5, $0x1;
	s5 =	sadd.s32 s21, s3  }
0x9d: {  	[timem:s7], [sflag:s22] =	dma.local [hbm:s5], s20  }
0x9e: {  	_ =	swait.ge [sflag:s22], s20  }
0x9f: {  	s4 =	ssub.s32 $0x0, s20;
	[sflag:s22] =	ssyncset.done $0x0  }
0xa0: {  	[sflag:s22] =	ssyncadd.s32 s4;
	_ =	sdelay $0x1  }
0xa1: {  	s23 =	simm.s32 $0x1B8B  }
0xa2: {  	_ =	swait.ge [sflag:s23], $0x1  }
0xa3: {  	[sflag:s23] =	ssyncset.done $0x0  }
0xa4: {  	s25 =	simm.s32 $0x1B8E;
	s24 =	sld [smem:$0x3FFE];
	[sflag:s23] =	ssyncadd.s32 $0xFFFFFFFF  }
0xa5: {  	s26 =	simm.s32 $execute0_lowered;
	[smem:$0x3FD2] =	sst s25  }
0xa6: {  	s5 =	sshll.u32 s26, $0x1;
	_ =	strace $0x80000046;
	[dreg:$0x1] =	wrdreg $0xFFFFFFFF  }
0xa7: {  	s28 =	simm.s32 $_size_execute0_lowered;
	s3 =	sadd.s32 s3, s5;
	[dreg:$0x0] =	wrdreg $0x0  }
0xa8: {  	s5 =	sshll.u32 s28, $0x1;
	[dreg:$0x2] =	wrdreg s3  }
0xa9: {  	[dreg:$0x3] =	wrdreg s5  }
0xaa: {  	[dreg:$0x4] =	wrdreg $0xC0  }
0xab: {  	_ =	task [dreg:s7], $0x5FFFF  }
0xac: {  	[dreg:$0x1] =	wrdreg $0xFFFFFFFF  }
0xad: {  	[dreg:$0x0] =	wrdreg $0x60  }
0xae: {  	[dreg:$0x2] =	wrdreg s24  }
0xaf: {  	[dreg:$0x3] =	wrdreg s2  }
0xb0: {  	[dreg:$0x4] =	wrdreg $0x7000  }
0xb1: {  	[dreg:$0x5] =	wrdreg $0x9  }
0xb2: {  	_ =	task.clear_ibuf [dreg:s7], $0x6FFFF;
	_ =	strace $0x90000046  }
0xb3: {  	s29 =	simm.s32 $0x9;
	_ =	strace $0x80000048  }
0xb4: {  	_ =	swait.ge [sflag:s29], $0x1  }
0xb5: {  	[sflag:s29] =	ssyncadd.s32 $0xFFFFFFFF  }
0xb6: {  	_ =	strace $0x90000048  }
0xb7: {  	_ =	sfence  }
0xb8: {  	s30 =	sld [smem:$0x0];
	_ =	sdelay $0x2  }
0xb9: {  	s31 =	sshll.u32 s1, $0xD;
	s1 =	sshrl.u32 s1, $0x2  }
0xba: {  	s3 =	sand.u32 $0x4000, s31;
	s1 =	sadd.s32 s1, s30  }
0xbb: {  	s0 =	sor.u32 s3, s0;
	s1 =	sshll.u32 s1, $0x11  }
0xbc: {  	s0 =	sor.u32 s1, s0  }
0xbd: {  	s0 =	sadd.s32 $0x8F2B, s0  }
0xbe: {  	[sflag:s0] =	ssyncadd.remote.s32 $0x1  }
0xbf: {  	_ =	sfence.sel $0xFFFF  }
0xc0: {  	[dreg:$0x0] =	wrdreg $0xFFFFFFFF;
	(pc) =	sbr.abs _section_cstart, $3  }
0xc1: {  	[dreg:$0x1] =	wrdreg $0xFFFFFFFF  }
0xc2: {  	_ =	task.clear_ibuf [dreg:s7], $0x2FFFF;
	_ =	strace $0x9FFFFFFF  }
0xc3: {  	(tm) =	ssettm $0x7FFFFFFF  }
tec
execute0_lowered:
.L_overlay_start_1:
0x0: {  	(tag) =	ssettag $0x1  }
0x1: {  	s0 =	rddreg [dreg:$0x0]  }
0x2: {  	s1 =	rddreg [dreg:$0x1]  }
0x3: {  	s2 =	rddreg [dreg:$0x2];
	s3 =	simm.s32 $0x0;
	s4 =	srdreg.scid  }
0x4: {  	s20 =	stileid.u32;
	s28 =	simm.s32 $0x3;
	s29 =	simm.s32 $0x5  }
0x5: {  	s30 =	simm.s32 $0x6;
	s31 =	simm.s32 $0x200;
	[smem:$0x7FF] =	sst s3  }
0x6: {  	s6 =	sand.u32 $0x1, s4;
	s7 =	smul.u32 $0xFA0, s20;
	s18 =	sadd.s32 $0x400, s0  }
0x7: {  	s17 =	sadd.s32 $0xA400, s0;
	s9 =	smul.u32 $0x2710, s20;
	s5 =	sadd.s32 $0xA200, s0  }
0x8: {  	s10 =	smul.u32 $0x3E8, s20;
	p0 =	sgt.u32 s20, $0x9;
	s20 =	simm.s32 $0x7  }
0x9: {  	_ =	strace $0x80000047;
	s8 =	smul.u32 $0x27100, s6;
	s19 =	ssub.s32 $0x2, s6  }
0xa: {  	[dreg:$0x4] =	wrdreg s17;
	s21 =	smul.u32 $0x2710, s6;
	s11 =	sshrl.u32 s19, $0x1  }
0xb: {  	s22 =	sshrl.u32 s7, $0x2;
	s16 =	sadd.s32 s9, s8;
	s0 =	ssub.s32 s19, s11  }
0xc: {  	s6 =	sadd.s32 s22, s2;
	s24 =	sadd.s32 s10, s21;
	s10 =	sadd.s32 s10, s2  }
0xd: {  	s21 =	simm.s32 $0x280;
	s22 =	simm.s32 $0x80;
	s23 =	sshrl.u32 s16, $0x3  }
0xe: {  	s11 =	sshrl.u32 s24, $0x3;
	s12 =	smax.u32 s0, $0x1;
	s25 =	sadd.s32 $0x380, s16  }
0xf: {  	s26 =	sadd.s32 $0x300, s16;
	s16 =	sadd.s32 $0x280, s16;
	s24 =	simm.s32 $0x100  }
0x10: {  	s7 =	sadd.s32 s18, s23;
	s11 =	sadd.s32 s1, s11;
	s0 =	sshrl.u32 s25, $0x3  }
.Ltmp0:
0x11: {  	s1 =	sshrl.u32 s26, $0x3;
	s19 =	sshrl.u32 s16, $0x3;
	(pc) =	sbr.rel .LBB2_1-.Ltmp0, $4  }
0x12: {  	s23 =	simm.s32 $0x1;
	s25 =	simm.s32 $0x2;
	s26 =	simm.s32 $0x4  }
0x13: {  	s8 =	sadd.s32 $0x10, s7;
	s9 =	sadd.s32 $0x4E0, s7;
	s13 =	sadd.s32 $0x20, s7  }
0x14: {  	s14 =	sadd.s32 $0x30, s7;
	s15 =	sadd.s32 $0x40, s7;
	s16 =	sadd.s32 s0, s18  }
0x15: {  	s17 =	sadd.s32 s1, s18;
	s18 =	sadd.s32 s19, s18;
	s1 =	simm.s32 $0x0  }
.LBB2_4:
0x16: {  	_ =	swait.ge [sflag:s28], $0x80  }
0x17: {  	[sflag:s28] =	ssyncset.done $0x0  }
0x18: {  	[sflag:s28] =	ssyncadd.s32 $0xFFFFFF80  }
0x19: {  	[spmem:s2] =	stream.indirect.scatter.add.f32 [tilespmem:s21], [sflag:$0x6], $0x1, s24, s22, $0xb8;
	[tilespmem:$0x978] =	vst v63  }
0x1a: {  	_ =	swait.ge [sflag:s26], $0x80  }
0x1b: {  	[sflag:s26] =	ssyncset.done $0x0  }
0x1c: {  	[sflag:s26] =	ssyncadd.s32 $0xFFFFFF80  }
0x1d: {  	_ =	swait.ge [sflag:s29], $0x80  }
0x1e: {  	[sflag:s29] =	ssyncset.done $0x0  }
0x1f: {  	[sflag:s29] =	ssyncadd.s32 $0xFFFFFF80  }
0x20: {  	_ =	swait.ge [sflag:s30], $0x80  }
0x21: {  	[sflag:s30] =	ssyncset.done $0x0  }
0x22: {  	[sflag:s30] =	ssyncadd.s32 $0xFFFFFF80  }
0x23: {  	[tilespmem:s31], [sflag:$0x7] =	stream.linear.gather [hbm4b:s9+s3], $0x10, $0x38;
	[tilespmem:$0x978] =	vst v63  }
0x24: {  	_ =	swait.ge [sflag:s20], $0x10  }
0x25: {  	[sflag:s20] =	ssyncset.done $0x0  }
0x26: {  	s0 =	simm.s32 $0x10;
	[sflag:s20] =	ssyncadd.s32 $0xFFFFFFF0  }
0x27: {  	[spmem:s2] =	stream.indirect.scatter.add.f32 [tilespmem:s21], [sflag:$0x7], $0x1, s31, s0, $0xb8;
	[tilespmem:$0x978] =	vst v63  }
0x28: {  	_ =	swait.ge [sflag:s20], $0x10  }
0x29: {  	[sflag:s20] =	ssyncset.done $0x0  }
0x2a: {  	[sflag:s20] =	ssyncadd.s32 $0xFFFFFFF0  }
0x2b: {  	s19 =	simm.s32 @!p0 $0x7;
	s0 =	simm.s32 @!p0 $0x300;
	[bflag:$0x0] =	sbarrier.arrive $0xFFFF  }
0x2c: {  	[tilespmem:s0], [sflag:$0x7] =	stream.linear.gather @!p0 [spmem:s10], $0x3E8, $0x38;
	[tilespmem:$0x978] =	vst v63  }
0x2d: {  	s1 =	sadd.s32 $0x1, s1;
	_ =	swait.ge @!p0 [sflag:s19], $0x3E8  }
0x2e: {  	p1 =	sne.s32 s1, s12;
	[sflag:s19] =	ssyncset.done @!p0 $0x0  }
.Ltmp1:
0x2f: {  	s4 =	simm.s32 @!p0 $0x0;
	[sflag:s19] =	ssyncadd.s32 @!p0 $0xFFFFFC18;
	(pc) =	sbr.rel @!p1 .LBB2_5-.Ltmp1, $4  }
0x30: {  	[hbm4b:s11+s4] =	stream.linear.scatter @!p0 [tilespmem:s0], [sflag:$0x7], $0x3E8, $0x38;
	[tilespmem:$0x978] =	vst v63  }
0x31: {  	_ =	swait.ge @!p0 [sflag:s19], $0x3E8  }
0x32: {  	[sflag:s19] =	ssyncset.done @!p0 $0x0  }
0x33: {  	[sflag:s19] =	ssyncadd.s32 @!p0 $0xFFFFFC18  }
.LBB2_1:
0x34: {  	s0 =	rddreg [dreg:$0x4];
	s4 =	simm.s32 $0x300  }
0x35: {  	[tilespmem:s4], [sflag:$0x7] =	stream.linear.gather [hbm4b:s0+s3], $0x400, $0x38;
	[tilespmem:$0x978] =	vst v63  }
0x36: {  	_ =	swait.ge [sflag:s20], $0x400  }
0x37: {  	[sflag:s20] =	ssyncset.done $0x0  }
0x38: {  	[sflag:s20] =	ssyncadd.s32 $0xFFFFFC00  }
0x39: {  	[tilespmem:s21], [sflag:$0x7] =	stream.linear.gather [hbm4b:s5+s3], $0x80, $0x38;
	[tilespmem:$0x978] =	vst v63  }
0x3a: {  	_ =	swait.ge [sflag:s20], $0x80  }
0x3b: {  	[sflag:s20] =	ssyncset.done $0x0  }
0x3c: {  	s19 =	simm.s32 @!p0 $0x300;
	[sflag:s20] =	ssyncadd.s32 $0xFFFFFF80  }
0x3d: {  	[spmem:s6] =	stream.linear.scatter @!p0 [tilespmem:s19], [sflag:$0x7], $0x3E8, $0x38;
	[tilespmem:$0x978] =	vst v63  }
0x3e: {  	s19 =	simm.s32 @!p0 $0x7  }
0x3f: {  	_ =	swait.ge @!p0 [sflag:s19], $0x3E8  }
0x40: {  	[sflag:s19] =	ssyncset.done @!p0 $0x0  }
0x41: {  	[sflag:s19] =	ssyncadd.s32 @!p0 $0xFFFFFC18  }
0x42: {  	[bflag:$0x0] =	sbarrier.arrive $0xFFFF  }
0x43: {  	[tilespmem:s3], [sflag:$0x1] =	stream.linear.gather [hbm4b:s7+s3], $0x80, $0x38;
	[tilespmem:$0x978] =	vst v63  }
0x44: {  	_ = 	snop  }
0x45: {  	[tilespmem:s22], [sflag:$0x2] =	stream.linear.gather [hbm4b:s8+s3], $0x80, $0x38;
	[tilespmem:$0x978] =	vst v63  }
0x46: {  	_ =	swait.ge [sflag:s23], $0x80  }
0x47: {  	[sflag:s23] =	ssyncset.done $0x0  }
0x48: {  	[sflag:s23] =	ssyncadd.s32 $0xFFFFFF80  }
0x49: {  	[spmem:s2] =	stream.indirect.scatter.add.f32 [tilespmem:s21], [sflag:$0x4], $0x1, s3, s22, $0xb8;
	[tilespmem:$0x978] =	vst v63  }
0x4a: {  	_ = 	snop  }
0x4b: {  	[tilespmem:s24], [sflag:$0x3] =	stream.linear.gather [hbm4b:s13+s3], $0x80, $0x38;
	[tilespmem:$0x978] =	vst v63  }
0x4c: {  	_ =	swait.ge [sflag:s25], $0x80  }
0x4d: {  	[sflag:s25] =	ssyncset.done $0x0  }
0x4e: {  	[sflag:s25] =	ssyncadd.s32 $0xFFFFFF80  }
0x4f: {  	[spmem:s2] =	stream.indirect.scatter.add.f32 [tilespmem:s21], [sflag:$0x5], $0x1, s22, s22, $0xb8;
	[tilespmem:$0x978] =	vst v63  }
0x50: {  	_ =	swait.ge [sflag:s26], $0x80  }
0x51: {  	[sflag:s26] =	ssyncset.done $0x0  }
0x52: {  	[sflag:s26] =	ssyncadd.s32 $0xFFFFFF80  }
0x53: {  	[tilespmem:s3], [sflag:$0x1] =	stream.linear.gather [hbm4b:s14+s3], $0x80, $0x38;
	[tilespmem:$0x978] =	vst v63  }
0x54: {  	_ =	swait.ge [sflag:s28], $0x80  }
0x55: {  	[sflag:s28] =	ssyncset.done $0x0  }
0x56: {  	[sflag:s28] =	ssyncadd.s32 $0xFFFFFF80  }
0x57: {  	[spmem:s2] =	stream.indirect.scatter.add.f32 [tilespmem:s21], [sflag:$0x6], $0x1, s24, s22, $0xb8;
	[tilespmem:$0x978] =	vst v63  }
0x58: {  	_ =	swait.ge [sflag:s29], $0x80  }
0x59: {  	[sflag:s29] =	ssyncset.done $0x0  }
0x5a: {  	s19 =	simm.s32 $0x0;
	[sflag:s29] =	ssyncadd.s32 $0xFFFFFF80  }
0x5b: {  	[tilespmem:s22], [sflag:$0x2] =	stream.linear.gather [hbm4b:s15+s3], $0x80, $0x38;
	[tilespmem:$0x978] =	vst v63  }
.LBB2_2:
0x5c: {  	_ =	swait.ge [sflag:s23], $0x80  }
0x5d: {  	[sflag:s23] =	ssyncset.done $0x0  }
0x5e: {  	[sflag:s23] =	ssyncadd.s32 $0xFFFFFF80  }
0x5f: {  	[spmem:s2] =	stream.indirect.scatter.add.f32 [tilespmem:s21], [sflag:$0x4], $0x1, s3, s22, $0xb8;
	[tilespmem:$0x978] =	vst v63  }
0x60: {  	_ =	swait.ge [sflag:s30], $0x80  }
0x61: {  	[sflag:s30] =	ssyncset.done $0x0  }
0x62: {  	s0 =	sadd.s32 s19, s18;
	p1 =	seq.s32 s19, $0x480;
	[sflag:s30] =	ssyncadd.s32 $0xFFFFFF80  }
0x63: {  	[tilespmem:s24], [sflag:$0x3] =	stream.linear.gather [hbm4b:s0+s3], $0x80, $0x38;
	[tilespmem:$0x978] =	vst v63  }
.Ltmp2:
0x64: {  	_ = 	snop;
	(pc) =	sbr.rel @p1 .LBB2_4-.Ltmp2, $4  }
0x65: {  	_ =	swait.ge [sflag:s25], $0x80  }
0x66: {  	[sflag:s25] =	ssyncset.done $0x0  }
0x67: {  	[sflag:s25] =	ssyncadd.s32 $0xFFFFFF80  }
0x68: {  	[spmem:s2] =	stream.indirect.scatter.add.f32 [tilespmem:s21], [sflag:$0x5], $0x1, s22, s22, $0xb8;
	[tilespmem:$0x978] =	vst v63  }
0x69: {  	_ =	swait.ge [sflag:s26], $0x80  }
0x6a: {  	[sflag:s26] =	ssyncset.done $0x0  }
0x6b: {  	s0 =	sadd.s32 s19, s17;
	[sflag:s26] =	ssyncadd.s32 $0xFFFFFF80  }
0x6c: {  	[tilespmem:s3], [sflag:$0x1] =	stream.linear.gather [hbm4b:s0+s3], $0x80, $0x38;
	[tilespmem:$0x978] =	vst v63  }
0x6d: {  	_ =	swait.ge [sflag:s28], $0x80  }
0x6e: {  	[sflag:s28] =	ssyncset.done $0x0  }
0x6f: {  	[sflag:s28] =	ssyncadd.s32 $0xFFFFFF80  }
0x70: {  	[spmem:s2] =	stream.indirect.scatter.add.f32 [tilespmem:s21], [sflag:$0x6], $0x1, s24, s22, $0xb8;
	[tilespmem:$0x978] =	vst v63  }
.Ltmp3:
0x71: {  	_ = 	snop;
	(pc) =	sbr.rel .LBB2_2-.Ltmp3, $4  }
0x72: {  	_ =	swait.ge [sflag:s29], $0x80  }
0x73: {  	[sflag:s29] =	ssyncset.done $0x0  }
0x74: {  	s4 =	sadd.s32 s19, s16;
	s19 =	sadd.s32 $0x30, s19;
	[sflag:s29] =	ssyncadd.s32 $0xFFFFFF80  }
0x75: {  	[tilespmem:s22], [sflag:$0x2] =	stream.linear.gather [hbm4b:s4+s3], $0x80, $0x38;
	[tilespmem:$0x978] =	vst v63  }
.LBB2_5:
0x76: {  	_ =	sfence.sel $0x180000  }
0x77: {  	[bflag:$0x0] =	sbarrier.arrive $0xFFFF  }
0x78: {  	_ =	strace $0x90000047  }
0x79: {  	s0 =	stileid.u32;
	[bflag:$0x2] =	sbarrier.arrive $0xFFFF  }
0x7a: {  	p0 =	sne.s32 s0, $0x0;
	s0 =	rddreg [dreg:$0x3]  }
0x7b: {  	s0 =	sadd.s32 @!p0 $0x100000, s0  }
0x7c: {  	[sflag:s0] =	ssyncadd.tile.s32 @!p0 $0x1;
	_ =	shalt  }
.Lfunc_end2:
_tile_overlayer_lowered:
.L_overlay_start_2:
0x7d: {  	(tag) =	ssettag $0x2  }
0x7e: {  	s0 =	rddreg [dreg:$0x0];
	s2 =	stileid.u32  }
0x7f: {  	s1 =	rddreg [dreg:$0x1];
	p0 =	sne.s32 s2, $0x0  }
0x80: {  	s3 =	rddreg [dreg:$0x2];
	[bflag:$0x3] =	sbarrier.arrive $0xFFFF;
	s2 =	simm.s32 @!p0 $0x1C07  }
0x81: {  	[timem:s3], [sflag:s2] =	dma.local @!p0 [hbm:s0], s1  }
0x82: {  	s0 =	simm.s32 @!p0 $0x7  }
0x83: {  	_ =	swait.ge @!p0 [sflag:s0], s1  }
0x84: {  	s1 =	ssub.s32 @!p0 $0x0, s1;
	[sflag:s0] =	ssyncset.done @!p0 $0x0  }
0x85: {  	[sflag:s0] =	ssyncadd.s32 @!p0 s1  }
0x86: {  	[bflag:$0x3] =	sbarrier.arrive $0xFFFF  }
0x87: {  	_ =	shalt  }

</sc_bundles>
